<compile_context>
chip_gen: v7x
topology: tpu7x:2x2x1
jax: 0.10.2.dev20260603
libtpu: 0.0.44.dev20260713+nightly
codegen_flags: <defaults>
</compile_context>

<pallas_src>
import functools

import jax
import jax.numpy as jnp
from jax import lax
from jax.experimental import pallas as pl
from jax.experimental.pallas import tpu as pltpu
from jax.experimental.pallas import tpu_sc as plsc

N = 10000
E = 320000
D = 128
HD = D // 2

NC = 2
NS = 16
NW = NC * NS
K = 64
NP = 10112
EP = 327680
NCH = EP // (NS * K)
NCHC = EP // (NW * K)
RPT = NP // NS
XRT = N // NS

CW = 8
NBUF = 2


def _sc_body(xs_hbm, src_hbm, dst_hbm, sums_hbm,
             src_v, dst_v, rows0, rows1, x_sh, acc_sh, gs0, gs1):
    cid = lax.axis_index("c")
    sid = lax.axis_index("s")
    rows = (rows0, rows1)
    gsem = (gs0, gs1)

    pltpu.sync_copy(src_hbm.at[sid], src_v)
    pltpu.sync_copy(dst_hbm.at[sid], dst_v)

    pltpu.sync_copy(xs_hbm.at[pl.ds(sid * XRT, XRT), pl.ds(cid * HD, HD)],
                    x_sh.at[pl.ds(sid * XRT, XRT)])

    zeros16 = jnp.zeros((16,), jnp.float32)

    def fill_rows(i, c):
        def inner(j, c2):
            rows0[i, pl.ds(j * 16, 16)] = zeros16
            return c2
        return lax.fori_loop(0, HD // 16, inner, c)

    lax.fori_loop(0, K, fill_rows, 0)

    base = sid * RPT

    def zero_chunk(t, c):
        pltpu.sync_copy(rows0, acc_sh.at[pl.ds(base + t * K, K)])
        return c

    lax.fori_loop(0, RPT // K, zero_chunk, 0)
    if RPT % K:
        pltpu.sync_copy(rows0.at[pl.ds(0, RPT % K)],
                        acc_sh.at[pl.ds(base + (RPT // K) * K, RPT % K)])
    plsc.subcore_barrier()

    def gfire(b, j):
        pltpu.async_copy(x_sh.at[src_v.at[j]], rows[b], gsem[b])

    def gwait(b, j):
        pltpu.make_async_copy(x_sh.at[src_v.at[j]], rows[b], gsem[b]).wait()

    gfire(0, 0)

    def group(g, c):
        for b in range(NBUF):
            j = g * NBUF + b

            @pl.when(j + 1 < NCH)
            def _():
                gfire(1 - b, j + 1)

            gwait(b, j)
            pltpu.sync_copy(rows[b], acc_sh.at[dst_v.at[j]], add=True)
        return c

    lax.fori_loop(0, NCH // NBUF, group, 0)

    plsc.subcore_barrier()

    pltpu.sync_copy(acc_sh.at[pl.ds(base, RPT)],
                    sums_hbm.at[cid, pl.ds(base, RPT)])


_sc_aggregate = functools.partial(
    pl.kernel,
    out_type=jax.ShapeDtypeStruct((NC, NP, HD), jnp.float32),
    mesh=plsc.VectorSubcoreMesh(core_axis_name="c", subcore_axis_name="s"),
    compiler_params=pltpu.CompilerParams(use_tc_tiling_on_sc=False),
    scratch_types=(
        pltpu.VMEM((NCH, K), jnp.int32),
        pltpu.VMEM((NCH, K), jnp.int32),
        pltpu.VMEM((K, HD), jnp.float32),
        pltpu.VMEM((K, HD), jnp.float32),
        pltpu.VMEM_SHARED((N, HD), jnp.float32),
        pltpu.VMEM_SHARED((NP, HD), jnp.float32),
        pltpu.SemaphoreType.DMA,
        pltpu.SemaphoreType.DMA,
    ),
)(_sc_body)


def _sc_count_body(dst_hbm, ones_hbm, zc_hbm, cnts_hbm,
                   dst_v, ones_v, cnt_sh):
    cid = lax.axis_index("c")
    sid = lax.axis_index("s")
    wid = cid * NS + sid

    pltpu.sync_copy(dst_hbm.at[wid], dst_v)
    pltpu.sync_copy(ones_hbm, ones_v)
    base = sid * RPT
    pltpu.sync_copy(zc_hbm, cnt_sh.at[pl.ds(base, RPT)])
    plsc.subcore_barrier()

    def chunk(j, c):
        pltpu.sync_copy(ones_v, cnt_sh.at[dst_v.at[j]], add=True)
        return c

    lax.fori_loop(0, NCHC, chunk, 0)

    plsc.subcore_barrier()
    pltpu.sync_copy(cnt_sh.at[pl.ds(base, RPT)],
                    cnts_hbm.at[cid, pl.ds(base, RPT)])


_sc_count = functools.partial(
    pl.kernel,
    out_type=jax.ShapeDtypeStruct((NC, NP, CW), jnp.float32),
    mesh=plsc.VectorSubcoreMesh(core_axis_name="c", subcore_axis_name="s"),
    compiler_params=pltpu.CompilerParams(use_tc_tiling_on_sc=False),
    scratch_types=(
        pltpu.VMEM((NCHC, K), jnp.int32),
        pltpu.VMEM((K, CW), jnp.float32),
        pltpu.VMEM_SHARED((NP, CW), jnp.float32),
    ),
)(_sc_count_body)


def _tc_body(x_ref, p0_ref, p1_ref, c0_ref, c1_ref, wl_ref, wr_ref, b_ref,
             o_ref):
    x = x_ref[...]
    s = jnp.concatenate([p0_ref[...], p1_ref[...]], axis=1)
    c = jnp.maximum(c0_ref[...][:, 0:1] + c1_ref[...][:, 0:1], 1.0)
    agg = s / c
    y = (jnp.dot(agg, wl_ref[...], preferred_element_type=jnp.float32)
         + b_ref[...]
         + jnp.dot(x, wr_ref[...], preferred_element_type=jnp.float32))
    o_ref[...] = x + jnp.maximum(y, 0.0)


BT = 1000


def _tc_combine(x, p0, p1, c0, c1, wlT, wrT, b):
    grid = (N // BT,)
    return pl.pallas_call(
        _tc_body,
        out_shape=jax.ShapeDtypeStruct((N, D), jnp.float32),
        grid=grid,
        in_specs=[
            pl.BlockSpec((BT, D), lambda i: (i, 0)),
            pl.BlockSpec((BT, HD), lambda i: (i, 0)),
            pl.BlockSpec((BT, HD), lambda i: (i, 0)),
            pl.BlockSpec((BT, CW), lambda i: (i, 0)),
            pl.BlockSpec((BT, CW), lambda i: (i, 0)),
            pl.BlockSpec((D, D), lambda i: (0, 0)),
            pl.BlockSpec((D, D), lambda i: (0, 0)),
            pl.BlockSpec((1, D), lambda i: (0, 0)),
        ],
        out_specs=pl.BlockSpec((BT, D), lambda i: (i, 0)),
    )(x, p0, p1, c0, c1, wlT, wrT, b)


def kernel(x, edge_index, W_l, b_l, W_r):
    pad = EP - E
    src_pad = jnp.concatenate([edge_index[0], jnp.zeros((pad,), jnp.int32)])
    dst_pad = jnp.concatenate([edge_index[1], jnp.full((pad,), N, jnp.int32)])
    src_a = src_pad.reshape(NS, NCH, K)
    dst_a = dst_pad.reshape(NS, NCH, K)
    dst_c = dst_pad.reshape(NW, NCHC, K)
    ones_col = jnp.ones((K, CW), jnp.float32)
    zeros_col = jnp.zeros((RPT, CW), jnp.float32)
    sums = _sc_aggregate(x, src_a, dst_a)
    cnts = _sc_count(dst_c, ones_col, zeros_col)
    return _tc_combine(x, sums[0], sums[1], cnts[0], cnts[1],
                       W_l.T, W_r.T, b_l.reshape(1, D))

# --- scband reference (transcript-rebuilt; emitter-appended) ---
"""Pipeline reference for scband-sage-83330955477194 (READ-ONLY COPY).

The authoritative reference and input builder live on the scoring server;
editing this copy changes nothing except your own understanding.
"""

import jax, jax.numpy as jnp
import numpy as np

N = 10000
E = 320000
D = 128


def setup_inputs(seed: int = 0) -> dict:
    key = jax.random.key(seed)
    k1, k2, k3, k4 = jax.random.split(key, 4)
    x = jax.random.normal(k1, (N, D), dtype=jnp.float32)
    edge_index = jax.random.randint(k2, (2, E), 0, N, dtype=jnp.int32)
    # PyG SAGEConv(nfeat, nfeat) params: lin_l (applied to aggregated neighbors, has bias),
    # lin_r (applied to root/self features, no bias)
    W_l = jax.random.normal(k3, (D, D), dtype=jnp.float32) * 0.05
    b_l = jnp.zeros((D,), dtype=jnp.float32)
    W_r = jax.random.normal(k4, (D, D), dtype=jnp.float32) * 0.05
    return {"x": x, "edge_index": edge_index, "W_l": W_l, "b_l": b_l, "W_r": W_r}


def reference(x, edge_index, W_l, b_l, W_r):
    src = edge_index[0]
    dst = edge_index[1]
    # gather source-node features along edges (x_j)
    msg = jnp.take(x, src, axis=0)
    # mean aggregation at destination nodes (scatter-add + count normalize)
    summed = jax.ops.segment_sum(msg, dst, num_segments=N)
    cnt = jax.ops.segment_sum(jnp.ones((E,), dtype=x.dtype), dst, num_segments=N)
    agg = summed / jnp.clip(cnt, 1.0)[:, None]
    # SAGEConv: lin_l(agg) + lin_r(x)
    sage_out = agg @ W_l.T + b_l + x @ W_r.T
    # Sage.forward: x + relu(sage(x, edge_index))
    return x + jax.nn.relu(sage_out)

if __name__ == "__main__":
    import jax
    _d = setup_inputs()
    print(jax.jit(kernel)(*tuple(_d.values())))

</pallas_src>

<mosaic_0001>
#map = affine_map<(d0, d1) -> (0, 0)>
#map1 = affine_map<(d0, d1) -> (0, 0, 0)>
module attributes {stable_mosaic.version = 14 : i64} {
  func.func @_sc_body(%arg0: i32, %arg1: i32, %arg2: memref<10000x128xf32, #tpu.memory_space<hbm>>, %arg3: memref<16x320x64xi32, #tpu.memory_space<hbm>>, %arg4: memref<16x320x64xi32, #tpu.memory_space<hbm>>, %arg5: memref<2x10112x64xf32, #tpu.memory_space<hbm>>, %arg6: memref<320x64xi32, #tpu.memory_space<vmem>>, %arg7: memref<320x64xi32, #tpu.memory_space<vmem>>, %arg8: memref<64x64xf32, #tpu.memory_space<vmem>>, %arg9: memref<64x64xf32, #tpu.memory_space<vmem>>, %arg10: memref<10000x64xf32, #tpu.memory_space<vmem_shared>>, %arg11: memref<10112x64xf32, #tpu.memory_space<vmem_shared>>, %arg12: memref<!tpu.dma_semaphore, #tpu.memory_space<semaphore_mem>>, %arg13: memref<!tpu.dma_semaphore, #tpu.memory_space<semaphore_mem>>) attributes {dimension_semantics = [#tpu.dimension_semantics<core_parallel>, #tpu.dimension_semantics<subcore_parallel>], iteration_bounds = array<i64: 2, 16>, scalar_prefetch = 0 : i64, scratch_operands = 8 : i64, tpu.core_type = #tpu.core_type<sc_vector_subcore>, window_params = [{transform_indices = #map}, {transform_indices = #map1}, {transform_indices = #map1}, {transform_indices = #map1}]} {
    "tpu.region"() ({
      %run_scoped3A = tpu.sem_alloc : memref<!tpu.dma_semaphore, #tpu.memory_space<semaphore_mem>>
      %dma_start3A_33 = arith.constant 0 : i32
      %dma_start3A_34 = arith.constant 0 : i32
      %dma_start3A_35 = tpu.memref_slice %arg3[%arg1, %dma_start3A_33, %dma_start3A_34] : memref<16x320x64xi32, #tpu.memory_space<hbm>> -> memref<1x320x64xi32, #tpu.memory_space<hbm>>
      %dma_start3A_36 = tpu.memref_squeeze %dma_start3A_35 : memref<1x320x64xi32, #tpu.memory_space<hbm>> -> memref<320x64xi32, #tpu.memory_space<hbm>>
      %dma_start3A_37 = arith.constant 0 : i32
      %dma_start3A_38 = arith.constant 0 : i32
      %dma_start3A_39 = tpu.memref_slice %arg3[%arg1, %dma_start3A_37, %dma_start3A_38] : memref<16x320x64xi32, #tpu.memory_space<hbm>> -> memref<1x320x64xi32, #tpu.memory_space<hbm>>
      %dma_start3A_40 = tpu.memref_squeeze %dma_start3A_39 : memref<1x320x64xi32, #tpu.memory_space<hbm>> -> memref<320x64xi32, #tpu.memory_space<hbm>>
      tpu.enqueue_dma source(%dma_start3A_40 : memref<320x64xi32, #tpu.memory_space<hbm>>) target(%arg6 : memref<320x64xi32, #tpu.memory_space<vmem>>) target_semaphore(%run_scoped3A : memref<!tpu.dma_semaphore, #tpu.memory_space<semaphore_mem>>)
      %dma_wait3A = arith.constant 0 : i32
      %dma_wait3A_41 = arith.constant 0 : i32
      %dma_wait3A_42 = tpu.memref_slice %arg3[%arg1, %dma_wait3A, %dma_wait3A_41] : memref<16x320x64xi32, #tpu.memory_space<hbm>> -> memref<1x320x64xi32, #tpu.memory_space<hbm>>
      %dma_wait3A_43 = tpu.memref_squeeze %dma_wait3A_42 : memref<1x320x64xi32, #tpu.memory_space<hbm>> -> memref<320x64xi32, #tpu.memory_space<hbm>>
      %dma_wait3A_44 = arith.constant 0 : i32
      %dma_wait3A_45 = arith.constant 0 : i32
      %dma_wait3A_46 = tpu.memref_slice %arg3[%arg1, %dma_wait3A_44, %dma_wait3A_45] : memref<16x320x64xi32, #tpu.memory_space<hbm>> -> memref<1x320x64xi32, #tpu.memory_space<hbm>>
      %dma_wait3A_47 = tpu.memref_squeeze %dma_wait3A_46 : memref<1x320x64xi32, #tpu.memory_space<hbm>> -> memref<320x64xi32, #tpu.memory_space<hbm>>
      tpu.wait_dma2 semaphore(%run_scoped3A : memref<!tpu.dma_semaphore, #tpu.memory_space<semaphore_mem>>) src(%dma_wait3A_47 : memref<320x64xi32, #tpu.memory_space<hbm>>) dst(%arg6 : memref<320x64xi32, #tpu.memory_space<vmem>>)
      tpu.yield
    }) : () -> ()
    "tpu.region"() ({
      %run_scoped3A = tpu.sem_alloc : memref<!tpu.dma_semaphore, #tpu.memory_space<semaphore_mem>>
      %dma_start3A_33 = arith.constant 0 : i32
      %dma_start3A_34 = arith.constant 0 : i32
      %dma_start3A_35 = tpu.memref_slice %arg4[%arg1, %dma_start3A_33, %dma_start3A_34] : memref<16x320x64xi32, #tpu.memory_space<hbm>> -> memref<1x320x64xi32, #tpu.memory_space<hbm>>
      %dma_start3A_36 = tpu.memref_squeeze %dma_start3A_35 : memref<1x320x64xi32, #tpu.memory_space<hbm>> -> memref<320x64xi32, #tpu.memory_space<hbm>>
      %dma_start3A_37 = arith.constant 0 : i32
      %dma_start3A_38 = arith.constant 0 : i32
      %dma_start3A_39 = tpu.memref_slice %arg4[%arg1, %dma_start3A_37, %dma_start3A_38] : memref<16x320x64xi32, #tpu.memory_space<hbm>> -> memref<1x320x64xi32, #tpu.memory_space<hbm>>
      %dma_start3A_40 = tpu.memref_squeeze %dma_start3A_39 : memref<1x320x64xi32, #tpu.memory_space<hbm>> -> memref<320x64xi32, #tpu.memory_space<hbm>>
      tpu.enqueue_dma source(%dma_start3A_40 : memref<320x64xi32, #tpu.memory_space<hbm>>) target(%arg7 : memref<320x64xi32, #tpu.memory_space<vmem>>) target_semaphore(%run_scoped3A : memref<!tpu.dma_semaphore, #tpu.memory_space<semaphore_mem>>)
      %dma_wait3A = arith.constant 0 : i32
      %dma_wait3A_41 = arith.constant 0 : i32
      %dma_wait3A_42 = tpu.memref_slice %arg4[%arg1, %dma_wait3A, %dma_wait3A_41] : memref<16x320x64xi32, #tpu.memory_space<hbm>> -> memref<1x320x64xi32, #tpu.memory_space<hbm>>
      %dma_wait3A_43 = tpu.memref_squeeze %dma_wait3A_42 : memref<1x320x64xi32, #tpu.memory_space<hbm>> -> memref<320x64xi32, #tpu.memory_space<hbm>>
      %dma_wait3A_44 = arith.constant 0 : i32
      %dma_wait3A_45 = arith.constant 0 : i32
      %dma_wait3A_46 = tpu.memref_slice %arg4[%arg1, %dma_wait3A_44, %dma_wait3A_45] : memref<16x320x64xi32, #tpu.memory_space<hbm>> -> memref<1x320x64xi32, #tpu.memory_space<hbm>>
      %dma_wait3A_47 = tpu.memref_squeeze %dma_wait3A_46 : memref<1x320x64xi32, #tpu.memory_space<hbm>> -> memref<320x64xi32, #tpu.memory_space<hbm>>
      tpu.wait_dma2 semaphore(%run_scoped3A : memref<!tpu.dma_semaphore, #tpu.memory_space<semaphore_mem>>) src(%dma_wait3A_47 : memref<320x64xi32, #tpu.memory_space<hbm>>) dst(%arg7 : memref<320x64xi32, #tpu.memory_space<vmem>>)
      tpu.yield
    }) : () -> ()
    %mul3A = arith.constant 625 : i32
    %mul3A_0 = arith.muli %arg1, %mul3A : i32
    %mul3A_1 = arith.constant 64 : i32
    %mul3A_2 = arith.muli %arg0, %mul3A_1 : i32
    %mul3A_3 = arith.constant 625 : i32
    %mul3A_4 = arith.muli %arg1, %mul3A_3 : i32
    "tpu.region"() ({
      %run_scoped3A = tpu.sem_alloc : memref<!tpu.dma_semaphore, #tpu.memory_space<semaphore_mem>>
      %dma_start3A_33 = arith.constant 0 : i32
      %dma_start3A_34 = tpu.memref_slice %arg10[%mul3A_4, %dma_start3A_33] : memref<10000x64xf32, #tpu.memory_space<vmem_shared>> -> memref<625x64xf32, #tpu.memory_space<vmem_shared>>
      %dma_start3A_35 = tpu.memref_slice %arg2[%mul3A_0, %mul3A_2] : memref<10000x128xf32, #tpu.memory_space<hbm>> -> memref<625x64xf32, #tpu.memory_space<hbm>>
      tpu.enqueue_dma source(%dma_start3A_35 : memref<625x64xf32, #tpu.memory_space<hbm>>) target(%dma_start3A_34 : memref<625x64xf32, #tpu.memory_space<vmem_shared>>) target_semaphore(%run_scoped3A : memref<!tpu.dma_semaphore, #tpu.memory_space<semaphore_mem>>)
      %dma_wait3A = arith.constant 0 : i32
      %dma_wait3A_36 = tpu.memref_slice %arg10[%mul3A_4, %dma_wait3A] : memref<10000x64xf32, #tpu.memory_space<vmem_shared>> -> memref<625x64xf32, #tpu.memory_space<vmem_shared>>
      %dma_wait3A_37 = tpu.memref_slice %arg2[%mul3A_0, %mul3A_2] : memref<10000x128xf32, #tpu.memory_space<hbm>> -> memref<625x64xf32, #tpu.memory_space<hbm>>
      tpu.wait_dma2 semaphore(%run_scoped3A : memref<!tpu.dma_semaphore, #tpu.memory_space<semaphore_mem>>) src(%dma_wait3A_37 : memref<625x64xf32, #tpu.memory_space<hbm>>) dst(%dma_wait3A_36 : memref<625x64xf32, #tpu.memory_space<vmem_shared>>)
      tpu.yield
    }) : () -> ()
    %broadcast_in_dim3A = arith.constant 0.000000e+00 : f32
    %broadcast_in_dim3A_5 = vector.broadcast %broadcast_in_dim3A : f32 to vector<16xf32>
    %scan3A = arith.constant 0 : i32
    %scan3A_6 = arith.constant 0 : i32
    %scan3A_7 = arith.constant 64 : i32
    %scan3A_8 = arith.addi %scan3A_6, %scan3A_7 : i32
    %scan3A_9 = arith.constant 1 : i32
    scf.for %scan3A_33 = %scan3A_6 to %scan3A_8 step %scan3A_9  : i32 {
      %scan3A_34 = arith.constant 0 : i32
      %scan3A_35 = arith.constant 4 : i32
      %scan3A_36 = arith.addi %scan3A_34, %scan3A_35 : i32
      %scan3A_37 = arith.constant 1 : i32
      scf.for %scan3A_39 = %scan3A_34 to %scan3A_36 step %scan3A_37  : i32 {
        %mul3A_40 = arith.constant 16 : i32
        %mul3A_41 = arith.muli %scan3A_39, %mul3A_40 : i32
        %swap3A = arith.index_cast %scan3A_33 : i32 to index
        %swap3A_42 = arith.index_cast %mul3A_41 : i32 to index
        %swap3A_43 = tpu.vector_load %arg8[%swap3A, %swap3A_42] {strides = array<i32>} : memref<64x64xf32, #tpu.memory_space<vmem>>, vector<1x16xf32>,
        %swap3A_44 = vector.shape_cast %swap3A_43 : vector<1x16xf32> to vector<16xf32>
        %swap3A_45 = vector.shape_cast %broadcast_in_dim3A_5 : vector<16xf32> to vector<1x16xf32>
        tpu.vector_store %arg8[%swap3A, %swap3A_42], %swap3A_45 {strides = array<i32>} : memref<64x64xf32, #tpu.memory_space<vmem>>, vector<1x16xf32>,
      }
      %scan3A_38 = arith.constant 4 : i32
    }
    %scan3A_10 = arith.constant 64 : i32
    %mul3A_11 = arith.constant 632 : i32
    %mul3A_12 = arith.muli %arg1, %mul3A_11 : i32
    %scan3A_13 = arith.constant 0 : i32
    %scan3A_14 = arith.constant 0 : i32
    %scan3A_15 = arith.constant 9 : i32
    %scan3A_16 = arith.addi %scan3A_14, %scan3A_15 : i32
    %scan3A_17 = arith.constant 1 : i32
    scf.for %scan3A_33 = %scan3A_14 to %scan3A_16 step %scan3A_17  : i32 {
      %mul3A_34 = arith.constant 64 : i32
      %mul3A_35 = arith.muli %scan3A_33, %mul3A_34 : i32
      %add3A_36 = arith.addi %mul3A_12, %mul3A_35 : i32
      "tpu.region"() ({
        %run_scoped3A = tpu.sem_alloc : memref<!tpu.dma_semaphore, #tpu.memory_space<semaphore_mem>>
        %dma_start3A_37 = arith.constant 0 : i32
        %dma_start3A_38 = tpu.memref_slice %arg11[%add3A_36, %dma_start3A_37] : memref<10112x64xf32, #tpu.memory_space<vmem_shared>> -> memref<64x64xf32, #tpu.memory_space<vmem_shared>>
        %dma_start3A_39 = arith.constant 0 : i32
        %dma_start3A_40 = tpu.memref_slice %arg11[%add3A_36, %dma_start3A_39] : memref<10112x64xf32, #tpu.memory_space<vmem_shared>> -> memref<64x64xf32, #tpu.memory_space<vmem_shared>>
        tpu.enqueue_dma source(%arg8 : memref<64x64xf32, #tpu.memory_space<vmem>>) target(%dma_start3A_40 : memref<64x64xf32, #tpu.memory_space<vmem_shared>>) target_semaphore(%run_scoped3A : memref<!tpu.dma_semaphore, #tpu.memory_space<semaphore_mem>>)
        %dma_wait3A = arith.constant 0 : i32
        %dma_wait3A_41 = tpu.memref_slice %arg11[%add3A_36, %dma_wait3A] : memref<10112x64xf32, #tpu.memory_space<vmem_shared>> -> memref<64x64xf32, #tpu.memory_space<vmem_shared>>
        %dma_wait3A_42 = arith.constant 0 : i32
        %dma_wait3A_43 = tpu.memref_slice %arg11[%add3A_36, %dma_wait3A_42] : memref<10112x64xf32, #tpu.memory_space<vmem_shared>> -> memref<64x64xf32, #tpu.memory_space<vmem_shared>>
        tpu.wait_dma2 semaphore(%run_scoped3A : memref<!tpu.dma_semaphore, #tpu.memory_space<semaphore_mem>>) src(%arg8 : memref<64x64xf32, #tpu.memory_space<vmem>>) dst(%dma_wait3A_43 : memref<64x64xf32, #tpu.memory_space<vmem_shared>>)
        tpu.yield
      }) : () -> ()
    }
    %scan3A_18 = arith.constant 9 : i32
    %add3A = arith.constant 576 : i32
    %add3A_19 = arith.addi %mul3A_12, %add3A : i32
    "tpu.region"() ({
      %run_scoped3A = tpu.sem_alloc : memref<!tpu.dma_semaphore, #tpu.memory_space<semaphore_mem>>
      %dma_start3A_33 = arith.constant 0 : i32
      %dma_start3A_34 = arith.constant 0 : i32
      %dma_start3A_35 = tpu.memref_slice %arg8[%dma_start3A_33, %dma_start3A_34] : memref<64x64xf32, #tpu.memory_space<vmem>> -> memref<56x64xf32, #tpu.memory_space<vmem>>
      %dma_start3A_36 = arith.constant 0 : i32
      %dma_start3A_37 = tpu.memref_slice %arg11[%add3A_19, %dma_start3A_36] : memref<10112x64xf32, #tpu.memory_space<vmem_shared>> -> memref<56x64xf32, #tpu.memory_space<vmem_shared>>
      %dma_start3A_38 = arith.constant 0 : i32
      %dma_start3A_39 = tpu.memref_slice %arg11[%add3A_19, %dma_start3A_38] : memref<10112x64xf32, #tpu.memory_space<vmem_shared>> -> memref<56x64xf32, #tpu.memory_space<vmem_shared>>
      %dma_start3A_40 = arith.constant 0 : i32
      %dma_start3A_41 = arith.constant 0 : i32
      %dma_start3A_42 = tpu.memref_slice %arg8[%dma_start3A_40, %dma_start3A_41] : memref<64x64xf32, #tpu.memory_space<vmem>> -> memref<56x64xf32, #tpu.memory_space<vmem>>
      tpu.enqueue_dma source(%dma_start3A_42 : memref<56x64xf32, #tpu.memory_space<vmem>>) target(%dma_start3A_39 : memref<56x64xf32, #tpu.memory_space<vmem_shared>>) target_semaphore(%run_scoped3A : memref<!tpu.dma_semaphore, #tpu.memory_space<semaphore_mem>>)
      %dma_wait3A = arith.constant 0 : i32
      %dma_wait3A_43 = arith.constant 0 : i32
      %dma_wait3A_44 = tpu.memref_slice %arg8[%dma_wait3A, %dma_wait3A_43] : memref<64x64xf32, #tpu.memory_space<vmem>> -> memref<56x64xf32, #tpu.memory_space<vmem>>
      %dma_wait3A_45 = arith.constant 0 : i32
      %dma_wait3A_46 = tpu.memref_slice %arg11[%add3A_19, %dma_wait3A_45] : memref<10112x64xf32, #tpu.memory_space<vmem_shared>> -> memref<56x64xf32, #tpu.memory_space<vmem_shared>>
      %dma_wait3A_47 = arith.constant 0 : i32
      %dma_wait3A_48 = tpu.memref_slice %arg11[%add3A_19, %dma_wait3A_47] : memref<10112x64xf32, #tpu.memory_space<vmem_shared>> -> memref<56x64xf32, #tpu.memory_space<vmem_shared>>
      %dma_wait3A_49 = arith.constant 0 : i32
      %dma_wait3A_50 = arith.constant 0 : i32
      %dma_wait3A_51 = tpu.memref_slice %arg8[%dma_wait3A_49, %dma_wait3A_50] : memref<64x64xf32, #tpu.memory_space<vmem>> -> memref<56x64xf32, #tpu.memory_space<vmem>>
      tpu.wait_dma2 semaphore(%run_scoped3A : memref<!tpu.dma_semaphore, #tpu.memory_space<semaphore_mem>>) src(%dma_wait3A_51 : memref<56x64xf32, #tpu.memory_space<vmem>>) dst(%dma_wait3A_48 : memref<56x64xf32, #tpu.memory_space<vmem_shared>>)
      tpu.yield
    }) : () -> ()
    %barrier3A = arith.constant 0 : index
    tpu.barrier barrier_id(%barrier3A)
    %dma_start3A = arith.constant 0 : i32
    %dma_start3A_20 = arith.constant 0 : i32
    %dma_start3A_21 = tpu.memref_slice %arg6[%dma_start3A, %dma_start3A_20] : memref<320x64xi32, #tpu.memory_space<vmem>> -> memref<1x64xi32, #tpu.memory_space<vmem>>
    %dma_start3A_22 = tpu.memref_squeeze %dma_start3A_21 : memref<1x64xi32, #tpu.memory_space<vmem>> -> memref<64xi32, #tpu.memory_space<vmem>>
    %dma_start3A_23 = arith.constant 0 : i32
    %dma_start3A_24 = arith.constant 0 : i32
    %dma_start3A_25 = tpu.memref_slice %arg10[%dma_start3A_23, %dma_start3A_24] : memref<10000x64xf32, #tpu.memory_space<vmem_shared>> -> memref<10000x64xf32, #tpu.memory_space<vmem_shared>>
    tpu.enqueue_indirect_dma source(%dma_start3A_25 : memref<10000x64xf32, #tpu.memory_space<vmem_shared>>) target(%arg8 : memref<64x64xf32, #tpu.memory_space<vmem>>) offsets(%dma_start3A_22 : memref<64xi32, #tpu.memory_space<vmem>>) semaphore(%arg12 : memref<!tpu.dma_semaphore, #tpu.memory_space<semaphore_mem>>)
    %scan3A_26 = arith.constant 0 : i32
    %scan3A_27 = arith.constant 0 : i32
    %scan3A_28 = arith.constant 160 : i32
    %scan3A_29 = arith.addi %scan3A_27, %scan3A_28 : i32
    %scan3A_30 = arith.constant 1 : i32
    scf.for %scan3A_33 = %scan3A_27 to %scan3A_29 step %scan3A_30  : i32 {
      %mul3A_34 = arith.constant 2 : i32
      %mul3A_35 = arith.muli %scan3A_33, %mul3A_34 : i32
      %add3A_36 = arith.constant 0 : i32
      %add3A_37 = arith.addi %mul3A_35, %add3A_36 : i32
      %add3A_38 = arith.constant 1 : i32
      %add3A_39 = arith.addi %add3A_37, %add3A_38 : i32
      %lt3A = arith.constant 320 : i32
      %lt3A_40 = arith.cmpi slt, %add3A_39, %lt3A : i32
      %convert_element_type3A = arith.extui %lt3A_40 : i1 to i32
      %cond3A = arith.constant 0 : i32
      %cond3A_41 = arith.cmpi ne, %convert_element_type3A, %cond3A : i32
      scf.if %cond3A_41 {
        %add3A_64 = arith.constant 1 : i32
        %add3A_65 = arith.addi %add3A_37, %add3A_64 : i32
        %dma_start3A_66 = arith.constant 0 : i32
        %dma_start3A_67 = tpu.memref_slice %arg6[%add3A_65, %dma_start3A_66] : memref<320x64xi32, #tpu.memory_space<vmem>> -> memref<1x64xi32, #tpu.memory_space<vmem>>
        %dma_start3A_68 = tpu.memref_squeeze %dma_start3A_67 : memref<1x64xi32, #tpu.memory_space<vmem>> -> memref<64xi32, #tpu.memory_space<vmem>>
        %dma_start3A_69 = arith.constant 0 : i32
        %dma_start3A_70 = arith.constant 0 : i32
        %dma_start3A_71 = tpu.memref_slice %arg10[%dma_start3A_69, %dma_start3A_70] : memref<10000x64xf32, #tpu.memory_space<vmem_shared>> -> memref<10000x64xf32, #tpu.memory_space<vmem_shared>>
        tpu.enqueue_indirect_dma source(%dma_start3A_71 : memref<10000x64xf32, #tpu.memory_space<vmem_shared>>) target(%arg9 : memref<64x64xf32, #tpu.memory_space<vmem>>) offsets(%dma_start3A_68 : memref<64xi32, #tpu.memory_space<vmem>>) semaphore(%arg13 : memref<!tpu.dma_semaphore, #tpu.memory_space<semaphore_mem>>)
      } else {
      }
      %dma_wait3A = arith.constant 0 : i32
      %dma_wait3A_42 = tpu.memref_slice %arg6[%add3A_37, %dma_wait3A] : memref<320x64xi32, #tpu.memory_space<vmem>> -> memref<1x64xi32, #tpu.memory_space<vmem>>
      %dma_wait3A_43 = tpu.memref_squeeze %dma_wait3A_42 : memref<1x64xi32, #tpu.memory_space<vmem>> -> memref<64xi32, #tpu.memory_space<vmem>>
      %dma_wait3A_44 = arith.constant 0 : i32
      %dma_wait3A_45 = arith.constant 0 : i32
      %dma_wait3A_46 = tpu.memref_slice %arg10[%dma_wait3A_44, %dma_wait3A_45] : memref<10000x64xf32, #tpu.memory_space<vmem_shared>> -> memref<10000x64xf32, #tpu.memory_space<vmem_shared>>
      tpu.wait_indirect_dma semaphore(%arg12 : memref<!tpu.dma_semaphore, #tpu.memory_space<semaphore_mem>>) src(%dma_wait3A_46 : memref<10000x64xf32, #tpu.memory_space<vmem_shared>>) dst(%arg8 : memref<64x64xf32, #tpu.memory_space<vmem>>)
      "tpu.region"() ({
        %run_scoped3A = tpu.sem_alloc : memref<!tpu.dma_semaphore, #tpu.memory_space<semaphore_mem>>
        %dma_start3A_64 = arith.constant 0 : i32
        %dma_start3A_65 = tpu.memref_slice %arg7[%add3A_37, %dma_start3A_64] : memref<320x64xi32, #tpu.memory_space<vmem>> -> memref<1x64xi32, #tpu.memory_space<vmem>>
        %dma_start3A_66 = tpu.memref_squeeze %dma_start3A_65 : memref<1x64xi32, #tpu.memory_space<vmem>> -> memref<64xi32, #tpu.memory_space<vmem>>
        %dma_start3A_67 = arith.constant 0 : i32
        %dma_start3A_68 = arith.constant 0 : i32
        %dma_start3A_69 = tpu.memref_slice %arg11[%dma_start3A_67, %dma_start3A_68] : memref<10112x64xf32, #tpu.memory_space<vmem_shared>> -> memref<10112x64xf32, #tpu.memory_space<vmem_shared>>
        tpu.enqueue_indirect_dma source(%arg8 : memref<64x64xf32, #tpu.memory_space<vmem>>) target(%dma_start3A_69 : memref<10112x64xf32, #tpu.memory_space<vmem_shared>>) offsets(%dma_start3A_66 : memref<64xi32, #tpu.memory_space<vmem>>) semaphore(%run_scoped3A : memref<!tpu.dma_semaphore, #tpu.memory_space<semaphore_mem>>) {add = true}
        %dma_wait3A_70 = arith.constant 0 : i32
        %dma_wait3A_71 = tpu.memref_slice %arg7[%add3A_37, %dma_wait3A_70] : memref<320x64xi32, #tpu.memory_space<vmem>> -> memref<1x64xi32, #tpu.memory_space<vmem>>
        %dma_wait3A_72 = tpu.memref_squeeze %dma_wait3A_71 : memref<1x64xi32, #tpu.memory_space<vmem>> -> memref<64xi32, #tpu.memory_space<vmem>>
        %dma_wait3A_73 = arith.constant 0 : i32
        %dma_wait3A_74 = arith.constant 0 : i32
        %dma_wait3A_75 = tpu.memref_slice %arg11[%dma_wait3A_73, %dma_wait3A_74] : memref<10112x64xf32, #tpu.memory_space<vmem_shared>> -> memref<10112x64xf32, #tpu.memory_space<vmem_shared>>
        tpu.wait_indirect_dma semaphore(%run_scoped3A : memref<!tpu.dma_semaphore, #tpu.memory_space<semaphore_mem>>) src(%arg8 : memref<64x64xf32, #tpu.memory_space<vmem>>) dst(%dma_wait3A_75 : memref<10112x64xf32, #tpu.memory_space<vmem_shared>>)
        tpu.yield
      }) : () -> ()
      %mul3A_47 = arith.constant 2 : i32
      %mul3A_48 = arith.muli %scan3A_33, %mul3A_47 : i32
      %add3A_49 = arith.constant 1 : i32
      %add3A_50 = arith.addi %mul3A_48, %add3A_49 : i32
      %add3A_51 = arith.constant 1 : i32
      %add3A_52 = arith.addi %add3A_50, %add3A_51 : i32
      %lt3A_53 = arith.constant 320 : i32
      %lt3A_54 = arith.cmpi slt, %add3A_52, %lt3A_53 : i32
      %convert_element_type3A_55 = arith.extui %lt3A_54 : i1 to i32
      %cond3A_56 = arith.constant 0 : i32
      %cond3A_57 = arith.cmpi ne, %convert_element_type3A_55, %cond3A_56 : i32
      scf.if %cond3A_57 {
        %add3A_64 = arith.constant 1 : i32
        %add3A_65 = arith.addi %add3A_50, %add3A_64 : i32
        %dma_start3A_66 = arith.constant 0 : i32
        %dma_start3A_67 = tpu.memref_slice %arg6[%add3A_65, %dma_start3A_66] : memref<320x64xi32, #tpu.memory_space<vmem>> -> memref<1x64xi32, #tpu.memory_space<vmem>>
        %dma_start3A_68 = tpu.memref_squeeze %dma_start3A_67 : memref<1x64xi32, #tpu.memory_space<vmem>> -> memref<64xi32, #tpu.memory_space<vmem>>
        %dma_start3A_69 = arith.constant 0 : i32
        %dma_start3A_70 = arith.constant 0 : i32
        %dma_start3A_71 = tpu.memref_slice %arg10[%dma_start3A_69, %dma_start3A_70] : memref<10000x64xf32, #tpu.memory_space<vmem_shared>> -> memref<10000x64xf32, #tpu.memory_space<vmem_shared>>
        tpu.enqueue_indirect_dma source(%dma_start3A_71 : memref<10000x64xf32, #tpu.memory_space<vmem_shared>>) target(%arg8 : memref<64x64xf32, #tpu.memory_space<vmem>>) offsets(%dma_start3A_68 : memref<64xi32, #tpu.memory_space<vmem>>) semaphore(%arg12 : memref<!tpu.dma_semaphore, #tpu.memory_space<semaphore_mem>>)
      } else {
      }
      %dma_wait3A_58 = arith.constant 0 : i32
      %dma_wait3A_59 = tpu.memref_slice %arg6[%add3A_50, %dma_wait3A_58] : memref<320x64xi32, #tpu.memory_space<vmem>> -> memref<1x64xi32, #tpu.memory_space<vmem>>
      %dma_wait3A_60 = tpu.memref_squeeze %dma_wait3A_59 : memref<1x64xi32, #tpu.memory_space<vmem>> -> memref<64xi32, #tpu.memory_space<vmem>>
      %dma_wait3A_61 = arith.constant 0 : i32
      %dma_wait3A_62 = arith.constant 0 : i32
      %dma_wait3A_63 = tpu.memref_slice %arg10[%dma_wait3A_61, %dma_wait3A_62] : memref<10000x64xf32, #tpu.memory_space<vmem_shared>> -> memref<10000x64xf32, #tpu.memory_space<vmem_shared>>
      tpu.wait_indirect_dma semaphore(%arg13 : memref<!tpu.dma_semaphore, #tpu.memory_space<semaphore_mem>>) src(%dma_wait3A_63 : memref<10000x64xf32, #tpu.memory_space<vmem_shared>>) dst(%arg9 : memref<64x64xf32, #tpu.memory_space<vmem>>)
      "tpu.region"() ({
        %run_scoped3A = tpu.sem_alloc : memref<!tpu.dma_semaphore, #tpu.memory_space<semaphore_mem>>
        %dma_start3A_64 = arith.constant 0 : i32
        %dma_start3A_65 = tpu.memref_slice %arg7[%add3A_50, %dma_start3A_64] : memref<320x64xi32, #tpu.memory_space<vmem>> -> memref<1x64xi32, #tpu.memory_space<vmem>>
        %dma_start3A_66 = tpu.memref_squeeze %dma_start3A_65 : memref<1x64xi32, #tpu.memory_space<vmem>> -> memref<64xi32, #tpu.memory_space<vmem>>
        %dma_start3A_67 = arith.constant 0 : i32
        %dma_start3A_68 = arith.constant 0 : i32
        %dma_start3A_69 = tpu.memref_slice %arg11[%dma_start3A_67, %dma_start3A_68] : memref<10112x64xf32, #tpu.memory_space<vmem_shared>> -> memref<10112x64xf32, #tpu.memory_space<vmem_shared>>
        tpu.enqueue_indirect_dma source(%arg9 : memref<64x64xf32, #tpu.memory_space<vmem>>) target(%dma_start3A_69 : memref<10112x64xf32, #tpu.memory_space<vmem_shared>>) offsets(%dma_start3A_66 : memref<64xi32, #tpu.memory_space<vmem>>) semaphore(%run_scoped3A : memref<!tpu.dma_semaphore, #tpu.memory_space<semaphore_mem>>) {add = true}
        %dma_wait3A_70 = arith.constant 0 : i32
        %dma_wait3A_71 = tpu.memref_slice %arg7[%add3A_50, %dma_wait3A_70] : memref<320x64xi32, #tpu.memory_space<vmem>> -> memref<1x64xi32, #tpu.memory_space<vmem>>
        %dma_wait3A_72 = tpu.memref_squeeze %dma_wait3A_71 : memref<1x64xi32, #tpu.memory_space<vmem>> -> memref<64xi32, #tpu.memory_space<vmem>>
        %dma_wait3A_73 = arith.constant 0 : i32
        %dma_wait3A_74 = arith.constant 0 : i32
        %dma_wait3A_75 = tpu.memref_slice %arg11[%dma_wait3A_73, %dma_wait3A_74] : memref<10112x64xf32, #tpu.memory_space<vmem_shared>> -> memref<10112x64xf32, #tpu.memory_space<vmem_shared>>
        tpu.wait_indirect_dma semaphore(%run_scoped3A : memref<!tpu.dma_semaphore, #tpu.memory_space<semaphore_mem>>) src(%arg9 : memref<64x64xf32, #tpu.memory_space<vmem>>) dst(%dma_wait3A_75 : memref<10112x64xf32, #tpu.memory_space<vmem_shared>>)
        tpu.yield
      }) : () -> ()
    }
    %scan3A_31 = arith.constant 160 : i32
    %barrier3A_32 = arith.constant 0 : index
    tpu.barrier barrier_id(%barrier3A_32)
    "tpu.region"() ({
      %run_scoped3A = tpu.sem_alloc : memref<!tpu.dma_semaphore, #tpu.memory_space<semaphore_mem>>
      %dma_start3A_33 = arith.constant 0 : i32
      %dma_start3A_34 = tpu.memref_slice %arg5[%arg0, %mul3A_12, %dma_start3A_33] : memref<2x10112x64xf32, #tpu.memory_space<hbm>> -> memref<1x632x64xf32, #tpu.memory_space<hbm>>
      %dma_start3A_35 = tpu.memref_squeeze %dma_start3A_34 : memref<1x632x64xf32, #tpu.memory_space<hbm>> -> memref<632x64xf32, #tpu.memory_space<hbm>>
      %dma_start3A_36 = arith.constant 0 : i32
      %dma_start3A_37 = tpu.memref_slice %arg11[%mul3A_12, %dma_start3A_36] : memref<10112x64xf32, #tpu.memory_space<vmem_shared>> -> memref<632x64xf32, #tpu.memory_space<vmem_shared>>
      tpu.enqueue_dma source(%dma_start3A_37 : memref<632x64xf32, #tpu.memory_space<vmem_shared>>) target(%dma_start3A_35 : memref<632x64xf32, #tpu.memory_space<hbm>>) target_semaphore(%run_scoped3A : memref<!tpu.dma_semaphore, #tpu.memory_space<semaphore_mem>>)
      %dma_wait3A = arith.constant 0 : i32
      %dma_wait3A_38 = tpu.memref_slice %arg5[%arg0, %mul3A_12, %dma_wait3A] : memref<2x10112x64xf32, #tpu.memory_space<hbm>> -> memref<1x632x64xf32, #tpu.memory_space<hbm>>
      %dma_wait3A_39 = tpu.memref_squeeze %dma_wait3A_38 : memref<1x632x64xf32, #tpu.memory_space<hbm>> -> memref<632x64xf32, #tpu.memory_space<hbm>>
      %dma_wait3A_40 = arith.constant 0 : i32
      %dma_wait3A_41 = tpu.memref_slice %arg11[%mul3A_12, %dma_wait3A_40] : memref<10112x64xf32, #tpu.memory_space<vmem_shared>> -> memref<632x64xf32, #tpu.memory_space<vmem_shared>>
      tpu.wait_dma2 semaphore(%run_scoped3A : memref<!tpu.dma_semaphore, #tpu.memory_space<semaphore_mem>>) src(%dma_wait3A_41 : memref<632x64xf32, #tpu.memory_space<vmem_shared>>) dst(%dma_wait3A_39 : memref<632x64xf32, #tpu.memory_space<hbm>>)
      tpu.yield
    }) : () -> ()
    return
  }
}

#map = affine_map<(d0, d1) -> (0, 0, 0)>
#map1 = affine_map<(d0, d1) -> (0, 0)>
module attributes {stable_mosaic.version = 14 : i64} {
  func.func @_sc_count_body(%arg0: i32, %arg1: i32, %arg2: memref<32x160x64xi32, #tpu.memory_space<hbm>>, %arg3: memref<64x8xf32, #tpu.memory_space<hbm>>, %arg4: memref<632x8xf32, #tpu.memory_space<hbm>>, %arg5: memref<2x10112x8xf32, #tpu.memory_space<hbm>>, %arg6: memref<160x64xi32, #tpu.memory_space<vmem>>, %arg7: memref<64x8xf32, #tpu.memory_space<vmem>>, %arg8: memref<10112x8xf32, #tpu.memory_space<vmem_shared>>) attributes {dimension_semantics = [#tpu.dimension_semantics<core_parallel>, #tpu.dimension_semantics<subcore_parallel>], iteration_bounds = array<i64: 2, 16>, scalar_prefetch = 0 : i64, scratch_operands = 3 : i64, tpu.core_type = #tpu.core_type<sc_vector_subcore>, window_params = [{transform_indices = #map}, {transform_indices = #map1}, {transform_indices = #map1}, {transform_indices = #map}]} {
    %mul3A = arith.constant 16 : i32
    %mul3A_0 = arith.muli %arg0, %mul3A : i32
    %add3A = arith.addi %mul3A_0, %arg1 : i32
    "tpu.region"() ({
      %run_scoped3A = tpu.sem_alloc : memref<!tpu.dma_semaphore, #tpu.memory_space<semaphore_mem>>
      %dma_start3A = arith.constant 0 : i32
      %dma_start3A_9 = arith.constant 0 : i32
      %dma_start3A_10 = tpu.memref_slice %arg2[%add3A, %dma_start3A, %dma_start3A_9] : memref<32x160x64xi32, #tpu.memory_space<hbm>> -> memref<1x160x64xi32, #tpu.memory_space<hbm>>
      %dma_start3A_11 = tpu.memref_squeeze %dma_start3A_10 : memref<1x160x64xi32, #tpu.memory_space<hbm>> -> memref<160x64xi32, #tpu.memory_space<hbm>>
      %dma_start3A_12 = arith.constant 0 : i32
      %dma_start3A_13 = arith.constant 0 : i32
      %dma_start3A_14 = tpu.memref_slice %arg2[%add3A, %dma_start3A_12, %dma_start3A_13] : memref<32x160x64xi32, #tpu.memory_space<hbm>> -> memref<1x160x64xi32, #tpu.memory_space<hbm>>
      %dma_start3A_15 = tpu.memref_squeeze %dma_start3A_14 : memref<1x160x64xi32, #tpu.memory_space<hbm>> -> memref<160x64xi32, #tpu.memory_space<hbm>>
      tpu.enqueue_dma source(%dma_start3A_15 : memref<160x64xi32, #tpu.memory_space<hbm>>) target(%arg6 : memref<160x64xi32, #tpu.memory_space<vmem>>) target_semaphore(%run_scoped3A : memref<!tpu.dma_semaphore, #tpu.memory_space<semaphore_mem>>)
      %dma_wait3A = arith.constant 0 : i32
      %dma_wait3A_16 = arith.constant 0 : i32
      %dma_wait3A_17 = tpu.memref_slice %arg2[%add3A, %dma_wait3A, %dma_wait3A_16] : memref<32x160x64xi32, #tpu.memory_space<hbm>> -> memref<1x160x64xi32, #tpu.memory_space<hbm>>
      %dma_wait3A_18 = tpu.memref_squeeze %dma_wait3A_17 : memref<1x160x64xi32, #tpu.memory_space<hbm>> -> memref<160x64xi32, #tpu.memory_space<hbm>>
      %dma_wait3A_19 = arith.constant 0 : i32
      %dma_wait3A_20 = arith.constant 0 : i32
      %dma_wait3A_21 = tpu.memref_slice %arg2[%add3A, %dma_wait3A_19, %dma_wait3A_20] : memref<32x160x64xi32, #tpu.memory_space<hbm>> -> memref<1x160x64xi32, #tpu.memory_space<hbm>>
      %dma_wait3A_22 = tpu.memref_squeeze %dma_wait3A_21 : memref<1x160x64xi32, #tpu.memory_space<hbm>> -> memref<160x64xi32, #tpu.memory_space<hbm>>
      tpu.wait_dma2 semaphore(%run_scoped3A : memref<!tpu.dma_semaphore, #tpu.memory_space<semaphore_mem>>) src(%dma_wait3A_22 : memref<160x64xi32, #tpu.memory_space<hbm>>) dst(%arg6 : memref<160x64xi32, #tpu.memory_space<vmem>>)
      tpu.yield
    }) : () -> ()
    "tpu.region"() ({
      %run_scoped3A = tpu.sem_alloc : memref<!tpu.dma_semaphore, #tpu.memory_space<semaphore_mem>>
      tpu.enqueue_dma source(%arg3 : memref<64x8xf32, #tpu.memory_space<hbm>>) target(%arg7 : memref<64x8xf32, #tpu.memory_space<vmem>>) target_semaphore(%run_scoped3A : memref<!tpu.dma_semaphore, #tpu.memory_space<semaphore_mem>>)
      tpu.wait_dma2 semaphore(%run_scoped3A : memref<!tpu.dma_semaphore, #tpu.memory_space<semaphore_mem>>) src(%arg3 : memref<64x8xf32, #tpu.memory_space<hbm>>) dst(%arg7 : memref<64x8xf32, #tpu.memory_space<vmem>>)
      tpu.yield
    }) : () -> ()
    %mul3A_1 = arith.constant 632 : i32
    %mul3A_2 = arith.muli %arg1, %mul3A_1 : i32
    "tpu.region"() ({
      %run_scoped3A = tpu.sem_alloc : memref<!tpu.dma_semaphore, #tpu.memory_space<semaphore_mem>>
      %dma_start3A = arith.constant 0 : i32
      %dma_start3A_9 = tpu.memref_slice %arg8[%mul3A_2, %dma_start3A] : memref<10112x8xf32, #tpu.memory_space<vmem_shared>> -> memref<632x8xf32, #tpu.memory_space<vmem_shared>>
      tpu.enqueue_dma source(%arg4 : memref<632x8xf32, #tpu.memory_space<hbm>>) target(%dma_start3A_9 : memref<632x8xf32, #tpu.memory_space<vmem_shared>>) target_semaphore(%run_scoped3A : memref<!tpu.dma_semaphore, #tpu.memory_space<semaphore_mem>>)
      %dma_wait3A = arith.constant 0 : i32
      %dma_wait3A_10 = tpu.memref_slice %arg8[%mul3A_2, %dma_wait3A] : memref<10112x8xf32, #tpu.memory_space<vmem_shared>> -> memref<632x8xf32, #tpu.memory_space<vmem_shared>>
      tpu.wait_dma2 semaphore(%run_scoped3A : memref<!tpu.dma_semaphore, #tpu.memory_space<semaphore_mem>>) src(%arg4 : memref<632x8xf32, #tpu.memory_space<hbm>>) dst(%dma_wait3A_10 : memref<632x8xf32, #tpu.memory_space<vmem_shared>>)
      tpu.yield
    }) : () -> ()
    %barrier3A = arith.constant 0 : index
    tpu.barrier barrier_id(%barrier3A)
    %scan3A = arith.constant 0 : i32
    %scan3A_3 = arith.constant 0 : i32
    %scan3A_4 = arith.constant 160 : i32
    %scan3A_5 = arith.addi %scan3A_3, %scan3A_4 : i32
    %scan3A_6 = arith.constant 1 : i32
    scf.for %scan3A_9 = %scan3A_3 to %scan3A_5 step %scan3A_6  : i32 {
      "tpu.region"() ({
        %run_scoped3A = tpu.sem_alloc : memref<!tpu.dma_semaphore, #tpu.memory_space<semaphore_mem>>
        %dma_start3A = arith.constant 0 : i32
        %dma_start3A_10 = tpu.memref_slice %arg6[%scan3A_9, %dma_start3A] : memref<160x64xi32, #tpu.memory_space<vmem>> -> memref<1x64xi32, #tpu.memory_space<vmem>>
        %dma_start3A_11 = tpu.memref_squeeze %dma_start3A_10 : memref<1x64xi32, #tpu.memory_space<vmem>> -> memref<64xi32, #tpu.memory_space<vmem>>
        %dma_start3A_12 = arith.constant 0 : i32
        %dma_start3A_13 = arith.constant 0 : i32
        %dma_start3A_14 = tpu.memref_slice %arg8[%dma_start3A_12, %dma_start3A_13] : memref<10112x8xf32, #tpu.memory_space<vmem_shared>> -> memref<10112x8xf32, #tpu.memory_space<vmem_shared>>
        tpu.enqueue_indirect_dma source(%arg7 : memref<64x8xf32, #tpu.memory_space<vmem>>) target(%dma_start3A_14 : memref<10112x8xf32, #tpu.memory_space<vmem_shared>>) offsets(%dma_start3A_11 : memref<64xi32, #tpu.memory_space<vmem>>) semaphore(%run_scoped3A : memref<!tpu.dma_semaphore, #tpu.memory_space<semaphore_mem>>) {add = true}
        %dma_wait3A = arith.constant 0 : i32
        %dma_wait3A_15 = tpu.memref_slice %arg6[%scan3A_9, %dma_wait3A] : memref<160x64xi32, #tpu.memory_space<vmem>> -> memref<1x64xi32, #tpu.memory_space<vmem>>
        %dma_wait3A_16 = tpu.memref_squeeze %dma_wait3A_15 : memref<1x64xi32, #tpu.memory_space<vmem>> -> memref<64xi32, #tpu.memory_space<vmem>>
        %dma_wait3A_17 = arith.constant 0 : i32
        %dma_wait3A_18 = arith.constant 0 : i32
        %dma_wait3A_19 = tpu.memref_slice %arg8[%dma_wait3A_17, %dma_wait3A_18] : memref<10112x8xf32, #tpu.memory_space<vmem_shared>> -> memref<10112x8xf32, #tpu.memory_space<vmem_shared>>
        tpu.wait_indirect_dma semaphore(%run_scoped3A : memref<!tpu.dma_semaphore, #tpu.memory_space<semaphore_mem>>) src(%arg7 : memref<64x8xf32, #tpu.memory_space<vmem>>) dst(%dma_wait3A_19 : memref<10112x8xf32, #tpu.memory_space<vmem_shared>>)
        tpu.yield
      }) : () -> ()
    }
    %scan3A_7 = arith.constant 160 : i32
    %barrier3A_8 = arith.constant 0 : index
    tpu.barrier barrier_id(%barrier3A_8)
    "tpu.region"() ({
      %run_scoped3A = tpu.sem_alloc : memref<!tpu.dma_semaphore, #tpu.memory_space<semaphore_mem>>
      %dma_start3A = arith.constant 0 : i32
      %dma_start3A_9 = tpu.memref_slice %arg5[%arg0, %mul3A_2, %dma_start3A] : memref<2x10112x8xf32, #tpu.memory_space<hbm>> -> memref<1x632x8xf32, #tpu.memory_space<hbm>>
      %dma_start3A_10 = tpu.memref_squeeze %dma_start3A_9 : memref<1x632x8xf32, #tpu.memory_space<hbm>> -> memref<632x8xf32, #tpu.memory_space<hbm>>
      %dma_start3A_11 = arith.constant 0 : i32
      %dma_start3A_12 = tpu.memref_slice %arg8[%mul3A_2, %dma_start3A_11] : memref<10112x8xf32, #tpu.memory_space<vmem_shared>> -> memref<632x8xf32, #tpu.memory_space<vmem_shared>>
      tpu.enqueue_dma source(%dma_start3A_12 : memref<632x8xf32, #tpu.memory_space<vmem_shared>>) target(%dma_start3A_10 : memref<632x8xf32, #tpu.memory_space<hbm>>) target_semaphore(%run_scoped3A : memref<!tpu.dma_semaphore, #tpu.memory_space<semaphore_mem>>)
      %dma_wait3A = arith.constant 0 : i32
      %dma_wait3A_13 = tpu.memref_slice %arg5[%arg0, %mul3A_2, %dma_wait3A] : memref<2x10112x8xf32, #tpu.memory_space<hbm>> -> memref<1x632x8xf32, #tpu.memory_space<hbm>>
      %dma_wait3A_14 = tpu.memref_squeeze %dma_wait3A_13 : memref<1x632x8xf32, #tpu.memory_space<hbm>> -> memref<632x8xf32, #tpu.memory_space<hbm>>
      %dma_wait3A_15 = arith.constant 0 : i32
      %dma_wait3A_16 = tpu.memref_slice %arg8[%mul3A_2, %dma_wait3A_15] : memref<10112x8xf32, #tpu.memory_space<vmem_shared>> -> memref<632x8xf32, #tpu.memory_space<vmem_shared>>
      tpu.wait_dma2 semaphore(%run_scoped3A : memref<!tpu.dma_semaphore, #tpu.memory_space<semaphore_mem>>) src(%dma_wait3A_16 : memref<632x8xf32, #tpu.memory_space<vmem_shared>>) dst(%dma_wait3A_14 : memref<632x8xf32, #tpu.memory_space<hbm>>)
      tpu.yield
    }) : () -> ()
    return
  }
}

module attributes {stable_mosaic.version = 14 : i64} {
  func.func @_tc_body(%arg0: i32, %arg1: memref<1000x128xf32, #tpu.memory_space<vmem>>, %arg2: memref<1000x64xf32, #tpu.memory_space<vmem>>, %arg3: memref<1000x64xf32, #tpu.memory_space<vmem>>, %arg4: memref<1000x8xf32, #tpu.memory_space<vmem>>, %arg5: memref<1000x8xf32, #tpu.memory_space<vmem>>, %arg6: memref<128x128xf32, #tpu.memory_space<vmem>>, %arg7: memref<128x128xf32, #tpu.memory_space<vmem>>, %arg8: memref<1x128xf32, #tpu.memory_space<vmem>>, %arg9: memref<1000x128xf32, #tpu.memory_space<vmem>>) attributes {dimension_semantics = [#tpu.dimension_semantics<arbitrary>], iteration_bounds = array<i64: 10>, scalar_prefetch = 0 : i64, scratch_operands = 0 : i64, tpu.core_type = #tpu.core_type<tc>, window_params = [{transform_indices = @transform_0, window_bounds = array<i64: 1000, 128>}, {transform_indices = @transform_1, window_bounds = array<i64: 1000, 64>}, {transform_indices = @transform_2, window_bounds = array<i64: 1000, 64>}, {transform_indices = @transform_3, window_bounds = array<i64: 1000, 8>}, {transform_indices = @transform_4, window_bounds = array<i64: 1000, 8>}, {pipeline_mode = #tpu.pipeline_mode<synchronous>, transform_indices = @transform_5, window_bounds = array<i64: 128, 128>}, {pipeline_mode = #tpu.pipeline_mode<synchronous>, transform_indices = @transform_6, window_bounds = array<i64: 128, 128>}, {pipeline_mode = #tpu.pipeline_mode<synchronous>, transform_indices = @transform_7, window_bounds = array<i64: 1, 128>}, {transform_indices = @transform_8, window_bounds = array<i64: 1000, 128>}]} {
    %get3A = arith.constant 0 : index
    %get3A_0 = arith.constant 0 : index
    %get3A_1 = vector.load %arg1[%get3A, %get3A_0] : memref<1000x128xf32, #tpu.memory_space<vmem>>, vector<1000x128xf32>
    %get3A_2 = arith.constant 0 : index
    %get3A_3 = arith.constant 0 : index
    %get3A_4 = vector.load %arg2[%get3A_2, %get3A_3] : memref<1000x64xf32, #tpu.memory_space<vmem>>, vector<1000x64xf32>
    %get3A_5 = arith.constant 0 : index
    %get3A_6 = arith.constant 0 : index
    %get3A_7 = vector.load %arg3[%get3A_5, %get3A_6] : memref<1000x64xf32, #tpu.memory_space<vmem>>, vector<1000x64xf32>
    %concatenate3A = tpu.concatenate %get3A_4, %get3A_7 in 1 : vector<1000x64xf32>, vector<1000x64xf32> -> vector<1000x128xf32>
    %get3A_8 = arith.constant 0 : index
    %get3A_9 = arith.constant 0 : index
    %get3A_10 = vector.load %arg4[%get3A_8, %get3A_9] : memref<1000x8xf32, #tpu.memory_space<vmem>>, vector<1000x8xf32>
    %slice3A = vector.extract_strided_slice %get3A_10 {offsets = [0, 0], sizes = [1000, 1], strides = [1, 1]} : vector<1000x8xf32> to vector<1000x1xf32>
    %get3A_11 = arith.constant 0 : index
    %get3A_12 = arith.constant 0 : index
    %get3A_13 = vector.load %arg5[%get3A_11, %get3A_12] : memref<1000x8xf32, #tpu.memory_space<vmem>>, vector<1000x8xf32>
    %slice3A_14 = vector.extract_strided_slice %get3A_13 {offsets = [0, 0], sizes = [1000, 1], strides = [1, 1]} : vector<1000x8xf32> to vector<1000x1xf32>
    %add3A = arith.addf %slice3A, %slice3A_14 : vector<1000x1xf32>
    %max3A = arith.constant 1.000000e+00 : f32
    %max3A_15 = vector.broadcast %max3A : f32 to vector<1000x1xf32>
    %max3A_16 = arith.maximumf %add3A, %max3A_15 : vector<1000x1xf32>
    %div3A = vector.broadcast %max3A_16 : vector<1000x1xf32> to vector<1000x128xf32>
    %div3A_17 = arith.divf %concatenate3A, %div3A : vector<1000x128xf32>
    %get3A_18 = arith.constant 0 : index
    %get3A_19 = arith.constant 0 : index
    %get3A_20 = vector.load %arg6[%get3A_18, %get3A_19] : memref<128x128xf32, #tpu.memory_space<vmem>>, vector<128x128xf32>
    %dot_general3A = arith.constant dense<0.000000e+00> : vector<1000x128xf32>
    %dot_general3A_21 = tpu.matmul %div3A_17, %get3A_20, %dot_general3A {dimension_numbers = #tpu.dot_dimension_numbers<[1], [0], [0], [1], [0, 0, 1, 1], [], []>, transpose_lhs_hint = false} : vector<1000x128xf32>, vector<128x128xf32>, vector<1000x128xf32> -> vector<1000x128xf32>
    %get3A_22 = arith.constant 0 : index
    %get3A_23 = arith.constant 0 : index
    %get3A_24 = vector.load %arg8[%get3A_22, %get3A_23] : memref<1x128xf32, #tpu.memory_space<vmem>>, vector<1x128xf32>
    %add3A_25 = vector.broadcast %get3A_24 : vector<1x128xf32> to vector<1000x128xf32>
    %add3A_26 = arith.addf %dot_general3A_21, %add3A_25 : vector<1000x128xf32>
    %get3A_27 = arith.constant 0 : index
    %get3A_28 = arith.constant 0 : index
    %get3A_29 = vector.load %arg7[%get3A_27, %get3A_28] : memref<128x128xf32, #tpu.memory_space<vmem>>, vector<128x128xf32>
    %dot_general3A_30 = arith.constant dense<0.000000e+00> : vector<1000x128xf32>
    %dot_general3A_31 = tpu.matmul %get3A_1, %get3A_29, %dot_general3A_30 {dimension_numbers = #tpu.dot_dimension_numbers<[1], [0], [0], [1], [0, 0, 1, 1], [], []>, transpose_lhs_hint = false} : vector<1000x128xf32>, vector<128x128xf32>, vector<1000x128xf32> -> vector<1000x128xf32>
    %add3A_32 = arith.addf %add3A_26, %dot_general3A_31 : vector<1000x128xf32>
    %max3A_33 = arith.constant 0.000000e+00 : f32
    %max3A_34 = vector.broadcast %max3A_33 : f32 to vector<1000x128xf32>
    %max3A_35 = arith.maximumf %add3A_32, %max3A_34 : vector<1000x128xf32>
    %add3A_36 = arith.addf %get3A_1, %max3A_35 : vector<1000x128xf32>
    %swap3A = arith.constant 0 : index
    %swap3A_37 = arith.constant 0 : index
    %swap3A_38 = vector.load %arg9[%swap3A, %swap3A_37] : memref<1000x128xf32, #tpu.memory_space<vmem>>, vector<1000x128xf32>
    tpu.vector_store %arg9[%swap3A, %swap3A_37], %add3A_36 {strides = array<i32>} : memref<1000x128xf32, #tpu.memory_space<vmem>>, vector<1000x128xf32>,
    return
  }
  func.func @transform_0(%arg0: i32) -> (i32, i32) {
    %c0_i32 = arith.constant 0 : i32
    %c0_i32_0 = arith.constant 0 : i32
    return %arg0, %c0_i32 : i32, i32
  }
  func.func @transform_1(%arg0: i32) -> (i32, i32) {
    %c0_i32 = arith.constant 0 : i32
    %c0_i32_0 = arith.constant 0 : i32
    return %arg0, %c0_i32 : i32, i32
  }
  func.func @transform_2(%arg0: i32) -> (i32, i32) {
    %c0_i32 = arith.constant 0 : i32
    %c0_i32_0 = arith.constant 0 : i32
    return %arg0, %c0_i32 : i32, i32
  }
  func.func @transform_3(%arg0: i32) -> (i32, i32) {
    %c0_i32 = arith.constant 0 : i32
    %c0_i32_0 = arith.constant 0 : i32
    return %arg0, %c0_i32 : i32, i32
  }
  func.func @transform_4(%arg0: i32) -> (i32, i32) {
    %c0_i32 = arith.constant 0 : i32
    %c0_i32_0 = arith.constant 0 : i32
    return %arg0, %c0_i32 : i32, i32
  }
  func.func @transform_5(%arg0: i32) -> (i32, i32) {
    %c0_i32 = arith.constant 0 : i32
    %c0_i32_0 = arith.constant 0 : i32
    %c0_i32_1 = arith.constant 0 : i32
    return %c0_i32, %c0_i32_0 : i32, i32
  }
  func.func @transform_6(%arg0: i32) -> (i32, i32) {
    %c0_i32 = arith.constant 0 : i32
    %c0_i32_0 = arith.constant 0 : i32
    %c0_i32_1 = arith.constant 0 : i32
    return %c0_i32, %c0_i32_0 : i32, i32
  }
  func.func @transform_7(%arg0: i32) -> (i32, i32) {
    %c0_i32 = arith.constant 0 : i32
    %c0_i32_0 = arith.constant 0 : i32
    %c0_i32_1 = arith.constant 0 : i32
    return %c0_i32, %c0_i32_0 : i32, i32
  }
  func.func @transform_8(%arg0: i32) -> (i32, i32) {
    %c0_i32 = arith.constant 0 : i32
    %c0_i32_0 = arith.constant 0 : i32
    return %arg0, %c0_i32 : i32, i32
  }
}

</mosaic_0001>

<sc_bundles>
// kernel: kernel.5.cloned.1.call-start
scs
__scs_entry_jumppad:
0x0: {  	(pc) =	sbr.rel $0x88, $3  }
0x1: {  	(tag) =	ssettag $0x0;
	lr =	simm.s32 $0x1  }
0x2: {  	[smem:$0x3F9C] =	sst lr;
	_ =	strace $0xD0000000  }
0x3: {  	_ = 	snop  }
0x4: {  	_ = 	snop  }
0x5: {  	_ = 	snop  }
0x6: {  	_ = 	snop  }
0x7: {  	_ = 	snop  }
__scs_overlays_trampoline_lowered:
0x8: {  	[smem:$0x3FAB] =	sst s0  }
0x9: {  	[smem:$0x3FAC] =	sst s1  }
0xa: {  	[smem:$0x3FAD] =	sst s2  }
0xb: {  	[smem:$0x3FAE] =	sst s3  }
0xc: {  	[smem:$0x3FAF] =	sst s4  }
0xd: {  	[smem:$0x3FB0] =	sst s5  }
0xe: {  	[smem:$0x3FB1] =	sst s6  }
0xf: {  	[smem:$0x3FB2] =	sst s7  }
0x10: {  	[smem:$0x3FB3] =	sst s8  }
0x11: {  	[smem:$0x3FB4] =	sst s9;
	s0 =	simm.s32 @!p0 $0x0  }
0x12: {  	s1 =	sld [smem:$0x3F9A];
	s0 =	simm.s32 @p0 $0x1  }
0x13: {  	[smem:$0x3FB5] =	sst s0;
	s0 =	simm.s32 @!p1 $0x0  }
0x14: {  	s2 =	sld [smem:$0x3F99];
	s0 =	simm.s32 @p1 $0x1  }
0x15: {  	[smem:$0x3FB6] =	sst s0;
	s0 =	simm.s32 @!p2 $0x0  }
0x16: {  	s3 =	sld [smem:$0x3FDB];
	s0 =	simm.s32 @p2 $0x1  }
0x17: {  	s4 =	simm.s32 $0x1BF5;
	[smem:$0x3FB8] =	sst s0  }
0x18: {  	s0 =	sld [smem:$0x3F9B];
	_ =	swait.ge [sflag:s4], $0x0  }
0x19: {  	s7 =	sld [smem:$0x3F9C]  }
0x1a: {  	s8 =	sadd.s32 $0xFFFFE003, lr  }
0x1b: {  	s9 =	sadd.s32 $0xFFFFFEF7, lr;
	s5 =	simm.s32 $0xFFFFFFFF;
	p2 =	slt.u32 s8, $0xFFFFF086  }
0x1c: {  	p1 =	slt.u32 s9, $0xF7A;
	s5 =	simm.s32 @!p2 $0x0  }
0x1d: {  	s5 =	simm.s32 @p1 $0x1;
	p0 =	seq.s32 s7, s2  }
0x1e: {  	s7 =	smul.u32 @!p0 $0xF7A, s2;
	p2 =	seq.s32 @!p0 s5, $0x0  }
0x1f: {  	s9 =	smul.u32 $0xF7A, s1;
	s8 =	simm.s32 @!p0 $0x1BF5;
	p2 =	por !p2, p0  }
0x20: {  	[sflag:s8] =	ssyncset.s32 @!p0 $0xFFFFF086;
	s6 =	sadd.s32 @!p0 s3, s7;
	s7 =	simm.s32 @!p0 $0x108  }
0x21: {  	s3 =	sadd.s32 s3, s9;
	s6 =	sadd.s32 @!p0 $0x88, s6;
	s7 =	simm.s32 @p2 $0x1082  }
0x22: {  	[simem:s7], [sflag:s8] =	dma.local @!p0 [hbm:s6], $0xF7A  }
0x23: {  	s9 =	sor.u32 $0xD0000000, s2;
	s6 =	simm.s32 $0x108;
	_ =	swait.ge @!p0 [sflag:s8], $0x0  }
0x24: {  	s3 =	sadd.s32 $0x88, s3;
	s6 =	simm.s32 @!p1 $0x1082;
	[sflag:s4] =	ssyncset.s32 $0xFFFFF086  }
0x25: {  	[simem:s6], [sflag:s4] =	dma.local [hbm:s3], $0xF7A  }
0x26: {  	[smem:$0x3F9C] =	sst s1;
	(tag) =	ssettag s2;
	_ =	strace s9  }
0x27: {  	s1 =	sld [smem:$0x3FAC]  }
0x28: {  	s2 =	sld [smem:$0x3FAD]  }
0x29: {  	s4 =	sld [smem:$0x3FAF]  }
0x2a: {  	p0 =	seq.s32 s5, $0x0;
	s5 =	sld [smem:$0x3FB0]  }
0x2b: {  	s6 =	sld [smem:$0x3FB1]  }
0x2c: {  	s7 =	sld [smem:$0x3FB2]  }
0x2d: {  	s3 =	simm.s32 $0x108;
	s8 =	sld [smem:$0x3FB3]  }
0x2e: {  	s3 =	simm.s32 @!p0 $0x1082;
	s9 =	sld [smem:$0x3FB4]  }
0x2f: {  	lr =	sadd.s32 s0, s3;
	s0 =	sld [smem:$0x3FAB]  }
0x30: {  	s3 =	sld [smem:$0x3FAE]  }
0x31: {  	[smem:$0x3FB7] =	sst s10  }
0x32: {  	s10 =	sld [smem:$0x3FB5];
	_ =	sdelay $0x3  }
0x33: {  	p0 =	seq.s32 s10, $0x1;
	s10 =	sld [smem:$0x3FB7];
	_ =	sdelay $0x3  }
0x34: {  	[smem:$0x3FB7] =	sst s10  }
0x35: {  	s10 =	sld [smem:$0x3FB6];
	_ =	sdelay $0x3  }
0x36: {  	p1 =	seq.s32 s10, $0x1;
	s10 =	sld [smem:$0x3FB7];
	_ =	sdelay $0x3  }
0x37: {  	[smem:$0x3FB7] =	sst s10  }
0x38: {  	s10 =	sld [smem:$0x3FB8]  }
0x39: {  	_ = 	snop;
	(pc) =	sbr.ind lr, $3  }
0x3a: {  	_ = 	snop  }
0x3b: {  	_ = 	snop  }
0x3c: {  	p2 =	seq.s32 s10, $0x1;
	s10 =	sld [smem:$0x3FB7]  }
0x3d: {  	_ =	shalt  }
0x3e: {  	_ =	shalt  }
0x3f: {  	_ =	shalt  }
0x40: {  	_ =	shalt  }
0x41: {  	_ =	shalt  }
0x42: {  	_ =	shalt  }
0x43: {  	_ =	shalt  }
0x44: {  	_ =	shalt  }
0x45: {  	_ =	shalt  }
0x46: {  	_ =	shalt  }
0x47: {  	_ =	shalt  }
0x48: {  	_ =	shalt  }
0x49: {  	_ =	shalt  }
0x4a: {  	_ =	shalt  }
0x4b: {  	_ =	shalt  }
0x4c: {  	_ =	shalt  }
0x4d: {  	_ =	shalt  }
0x4e: {  	_ =	shalt  }
0x4f: {  	_ =	shalt  }
0x50: {  	_ =	shalt  }
0x51: {  	_ =	shalt  }
0x52: {  	_ =	shalt  }
0x53: {  	_ =	shalt  }
0x54: {  	_ =	shalt  }
0x55: {  	_ =	shalt  }
0x56: {  	_ =	shalt  }
0x57: {  	_ =	shalt  }
0x58: {  	_ =	shalt  }
0x59: {  	_ =	shalt  }
0x5a: {  	_ =	shalt  }
0x5b: {  	_ =	shalt  }
0x5c: {  	_ =	shalt  }
0x5d: {  	_ =	shalt  }
0x5e: {  	_ =	shalt  }
0x5f: {  	_ =	shalt  }
0x60: {  	_ =	shalt  }
0x61: {  	_ =	shalt  }
0x62: {  	_ =	shalt  }
0x63: {  	_ =	shalt  }
0x64: {  	_ =	shalt  }
0x65: {  	_ =	shalt  }
0x66: {  	_ =	shalt  }
0x67: {  	_ =	shalt  }
0x68: {  	_ =	shalt  }
0x69: {  	_ =	shalt  }
0x6a: {  	_ =	shalt  }
0x6b: {  	_ =	shalt  }
0x6c: {  	_ =	shalt  }
0x6d: {  	_ =	shalt  }
0x6e: {  	_ =	shalt  }
0x6f: {  	_ =	shalt  }
0x70: {  	_ =	shalt  }
0x71: {  	_ =	shalt  }
0x72: {  	_ =	shalt  }
0x73: {  	_ =	shalt  }
0x74: {  	_ =	shalt  }
0x75: {  	_ =	shalt  }
0x76: {  	_ =	shalt  }
0x77: {  	_ =	shalt  }
0x78: {  	_ =	shalt  }
0x79: {  	_ =	shalt  }
0x7a: {  	_ =	shalt  }
0x7b: {  	_ =	shalt  }
0x7c: {  	_ =	shalt  }
0x7d: {  	_ =	shalt  }
0x7e: {  	_ =	shalt  }
0x7f: {  	_ =	shalt  }
0x80: {  	_ =	shalt  }
0x81: {  	_ =	shalt  }
0x82: {  	_ =	shalt  }
0x83: {  	_ =	shalt  }
0x84: {  	_ =	shalt  }
0x85: {  	_ =	shalt  }
0x86: {  	_ =	shalt  }
0x87: {  	_ =	shalt  }
.Lfunc_end0:
.L_simem_size_0:
called_computation_lowered:
.L_overlay_start_0:
0x88: {  	s2 =	sld [smem:$0x3FD9]  }
0x89: {  	s3 =	sld [smem:$0x3FFE];
	_ =	sdelay $0x1  }
0x8a: {  	s1 =	srdreg.scid  }
0x8b: {  	s0 =	sand.u32 $0x1, s1  }
0x8c: {  	s17 =	sshll.u32 s0, $0xA;
	s2 =	sadd.s32 s3, s2  }
0x8d: {  	s2 =	sadd.s32 s2, s17  }
0x8e: {  	[smem:$0x3FC3] =	sst s2  }
0x8f: {  	_ = 	snop  }
0x90: {  	s2 =	sld [smem:$0x3FC9]  }
0x91: {  	s18 =	sld [smem:$0x3FD0];
	(tm) =	ssettm $0x1  }
0x92: {  	s4 =	sld [smem:$0x3FFB];
	_ =	sdelay $0x3  }
0x93: {  	_ =	strace s4  }
0x94: {  	s4 =	sld [smem:$0x3FFC];
	_ =	sdelay $0x3  }
0x95: {  	_ =	strace s4  }
0x96: {  	s4 =	sld [smem:$0x3FFD];
	_ =	sdelay $0x3  }
0x97: {  	_ =	strace s4  }
0x98: {  	_ =	strace $0x8FFFFFFF  }
0x99: {  	s19 =	sld [smem:$0x3FDB];
	_ =	sdelay $0x1  }
0x9a: {  	s5 =	simm.s32 $_scs_section_size  }
0x9b: {  	s6 =	simm.s32 $_size__tile_overlayer_lowered;
	s7 =	simm.s32 $_tile_overlayer_lowered  }
0x9c: {  	s22 =	simm.s32 $0x1BFF;
	s21 =	sshll.u32 s7, $0x1;
	s4 =	sadd.s32 s5, s19  }
0x9d: {  	s8 =	simm.s32 $0x0;
	s20 =	sshll.u32 s6, $0x1;
	s6 =	sadd.s32 s21, s4  }
0x9e: {  	[timem:s8], [sflag:s22] =	dma.local [hbm:s6], s20  }
0x9f: {  	_ =	swait.ge [sflag:s22], s20  }
0xa0: {  	s5 =	ssub.s32 $0x0, s20;
	[sflag:s22] =	ssyncset.done $0x0  }
0xa1: {  	[sflag:s22] =	ssyncadd.s32 s5;
	_ =	sdelay $0x1  }
0xa2: {  	s23 =	simm.s32 $0x1B8B  }
0xa3: {  	_ =	swait.ge [sflag:s23], $0x1  }
0xa4: {  	[sflag:s23] =	ssyncset.done $0x0  }
0xa5: {  	s25 =	simm.s32 $0x1B8E;
	s24 =	sld [smem:$0x3FFE];
	[sflag:s23] =	ssyncadd.s32 $0xFFFFFFFF  }
0xa6: {  	s26 =	simm.s32 $execute0_lowered;
	[smem:$0x3FD2] =	sst s25  }
0xa7: {  	s6 =	sshll.u32 s26, $0x1;
	_ =	strace $0x80000046;
	[dreg:$0x1] =	wrdreg $0xFFFFFFFF  }
0xa8: {  	s28 =	simm.s32 $_size_execute0_lowered;
	s4 =	sadd.s32 s4, s6;
	[dreg:$0x0] =	wrdreg $0x0  }
0xa9: {  	s6 =	sshll.u32 s28, $0x1;
	[dreg:$0x2] =	wrdreg s4  }
0xaa: {  	[dreg:$0x3] =	wrdreg s6  }
0xab: {  	[dreg:$0x4] =	wrdreg $0xC0  }
0xac: {  	_ =	task [dreg:s8], $0x5FFFF  }
0xad: {  	[dreg:$0x1] =	wrdreg $0xFFFFFFFF  }
0xae: {  	[dreg:$0x0] =	wrdreg $0x60  }
0xaf: {  	[dreg:$0x2] =	wrdreg s2  }
0xb0: {  	[dreg:$0x3] =	wrdreg s18  }
0xb1: {  	[dreg:$0x4] =	wrdreg s24  }
0xb2: {  	[dreg:$0x5] =	wrdreg $0xC0000  }
0xb3: {  	[dreg:$0x6] =	wrdreg $0x15C400  }
0xb4: {  	[dreg:$0x7] =	wrdreg $0x9  }
0xb5: {  	_ =	task.clear_ibuf [dreg:s8], $0x8FFFF;
	_ =	strace $0x90000046  }
0xb6: {  	s29 =	simm.s32 $0x9;
	_ =	strace $0x80000048  }
0xb7: {  	_ =	swait.ge [sflag:s29], $0x1  }
0xb8: {  	[sflag:s29] =	ssyncadd.s32 $0xFFFFFFFF  }
0xb9: {  	_ =	strace $0x90000048  }
0xba: {  	_ =	sfence  }
0xbb: {  	s30 =	sld [smem:$0x0];
	_ =	sdelay $0x2  }
0xbc: {  	s31 =	sshll.u32 s1, $0xD;
	s1 =	sshrl.u32 s1, $0x2  }
0xbd: {  	s3 =	sand.u32 $0x4000, s31;
	s1 =	sadd.s32 s1, s30  }
0xbe: {  	s0 =	sor.u32 s3, s0;
	s1 =	sshll.u32 s1, $0x11  }
0xbf: {  	s0 =	sor.u32 s1, s0  }
0xc0: {  	s0 =	sadd.s32 $0x8F2B, s0  }
0xc1: {  	[sflag:s0] =	ssyncadd.remote.s32 $0x1  }
0xc2: {  	_ =	sfence.sel $0xFFFF  }
0xc3: {  	[dreg:$0x0] =	wrdreg $0xFFFFFFFF;
	(pc) =	sbr.abs _section_cstart, $3  }
0xc4: {  	[dreg:$0x1] =	wrdreg $0xFFFFFFFF  }
0xc5: {  	_ =	task.clear_ibuf [dreg:s8], $0x2FFFF;
	_ =	strace $0x9FFFFFFF  }
0xc6: {  	(tm) =	ssettm $0x7FFFFFFF  }
0xc7: {  	_ =	shalt  }
tec
execute0_lowered:
.L_overlay_start_1:
0x0: {  	(tag) =	ssettag $0x1  }
0x1: {  	s0 =	rddreg [dreg:$0x0]  }
0x2: {  	s1 =	rddreg [dreg:$0x1]  }
0x3: {  	s5 =	rddreg [dreg:$0x2]  }
0x4: {  	s2 =	rddreg [dreg:$0x3];
	s22 =	stileid.u32  }
0x5: {  	s4 =	srdreg.scid;
	s6 =	smul.u32 $0xA00, s22  }
0x6: {  	s3 =	rddreg [dreg:$0x4];
	s20 =	simm.s32 $0x0;
	s11 =	smul.u32 $0x9E00, s22  }
0x7: {  	s29 =	simm.s32 $0xA000;
	s30 =	simm.s32 $0x40;
	s12 =	smul.u32 $0x13880, s22  }
0x8: {  	s31 =	simm.s32 $0xB000;
	s28 =	simm.s32 $0x0;
	s14 =	smul.u32 $0x27100, s22  }
0x9: {  	s7 =	sand.u32 $0x1, s4;
	[smem:$0x7FF] =	sst s20;
	s21 =	smul.u32 $0x27800, s22  }
0xa: {  	s20 =	simm.s32 $0x3;
	s26 =	sshll.u32 s22, $0x6;
	s8 =	smul.u32 $0x9E000, s7  }
0xb: {  	_ =	strace $0x80000047;
	s10 =	ssub.s32 $0x2, s7;
	s23 =	sshll.u32 s7, $0x6  }
0xc: {  	s22 =	sor.u32 $0x1C03, s26;
	s9 =	sadd.s32 s6, s5;
	s13 =	sshrl.u32 s10, $0x1  }
0xd: {  	s1 =	sadd.s32 s1, s6;
	s24 =	sshrl.u32 s14, $0x2;
	s25 =	sadd.s32 s11, s3  }
0xe: {  	s8 =	sadd.s32 s11, s8;
	s13 =	ssub.s32 s10, s13;
	[dreg:$0x6] =	wrdreg s1  }
0xf: {  	s6 =	sadd.s32 $0x1200, s9;
	s1 =	sor.u32 s23, s12;
	s25 =	sshrl.u32 s25, $0x3  }
0x10: {  	s8 =	sshrl.u32 s8, $0x3;
	s1 =	sshrl.u32 s1, $0x3;
	s11 =	smax.u32 s13, $0x1  }
0x11: {  	s15 =	sadd.s32 s8, s5;
	s8 =	sshrl.u32 s21, $0x2;
	s21 =	sadd.s32 s24, s2  }
0x12: {  	s24 =	simm.s32 $0x1;
	s7 =	sadd.s32 s8, s3;
	s8 =	sadd.s32 s0, s1  }
0x13: {  	s10 =	sadd.s32 $0xB200, s15;
	s23 =	sshrl.u32 s21, $0x3;
	s1 =	simm.s32 $0x2  }
0x14: {  	s9 =	sadd.s32 $0x9000, s7;
	s12 =	sadd.s32 $0x1000, s7;
	s13 =	sadd.s32 $0x2000, s7  }
0x15: {  	s14 =	sadd.s32 $0x3000, s7;
	s15 =	sadd.s32 $0x4000, s7;
	s16 =	sadd.s32 $0x5000, s7  }
0x16: {  	v0 =	vimm.f32 $0.0e+00;
	s17 =	sadd.s32 $0x6000, s7;
	s18 =	sadd.s32 $0x7000, s7;
	s19 =	sadd.s32 $0x8000, s7  }
.LBB2_1:
0x17: {  	s0 =	simm.s32 $0x0;
	s4 =	rddreg [dreg:$0x6]  }
0x18: {  	[tilespmem:s0], [sflag:$0x3] =	stream.linear.gather [hbm4b:s4+s0], $0x5000, $0x38;
	[tilespmem:$0x1FA40] =	vst v63  }
0x19: {  	_ =	swait.ge [sflag:s20], $0x5000  }
0x1a: {  	[sflag:s20] =	ssyncset.done $0x0  }
0x1b: {  	s5 =	simm.s32 $0x5000;
	[sflag:s20] =	ssyncadd.s32 $0xFFFFB000  }
0x1c: {  	[tilespmem:s5], [sflag:$0x3] =	stream.linear.gather [hbm4b:s6+s0], $0x5000, $0x38;
	[tilespmem:$0x1FA40] =	vst v63  }
0x1d: {  	_ =	swait.ge [sflag:s20], $0x5000  }
0x1e: {  	[sflag:s20] =	ssyncset.done $0x0  }
0x1f: {  	s21 =	simm.s32 $0x8;
	s26 =	simm.s32 $0x10;
	[sflag:s20] =	ssyncadd.s32 $0xFFFFB000  }
0x20: {  	[spmem:s23@s21], [sflag:s22] =	dma.strided [hbm:s8@s26], $0x1388, s24, $0x8   }
0x21: {  	_ =	swait.ge [sflag:s20], $0x1388  }
0x22: {  	[sflag:s20] =	ssyncset.done $0x0  }
0x23: {  	s0 =	simm.s32 $0x0;
	s21 =	simm.s32 $0x100;
	[sflag:s20] =	ssyncadd.s32 $0xFFFFEC78  }
.LBB2_2:
0x24: {  	p0 =	sne.s32 s21, $0x3F00;
	[tilespmem:s0+$0xA030] =	vst v0;
	s26 =	smov.u32 s21;
	s21 =	sadd.s32 $0x100, s21  }
.Ltmp0:
0x25: {  	[tilespmem:s0+$0xA020] =	vst v0;
	(pc) =	sbr.rel @p0 .LBB2_2-.Ltmp0, $3  }
0x26: {  	[tilespmem:s0+$0xA000] =	vst v0  }
0x27: {  	[tilespmem:s0+$0xA010] =	vst v0;
	_ =	sdelay $0x1  }
0x28: {  	s0 =	sshra.s32 s26, $0x2  }
0x29: {  	[tilespmem:s0+$0xA030] =	vst v0  }
0x2a: {  	[tilespmem:s0+$0xA020] =	vst v0  }
0x2b: {  	[tilespmem:s0+$0xA000] =	vst v0  }
0x2c: {  	[tilespmem:s0+$0xA010] =	vst v0  }
0x2d: {  	[spmem:s7] =	stream.linear.scatter [tilespmem:s29], [sflag:$0x3], $0x1000, $0x38;
	[tilespmem:$0x1FA40] =	vst v63  }
0x2e: {  	_ =	swait.ge [sflag:s20], $0x1000  }
0x2f: {  	[sflag:s20] =	ssyncset.done $0x0  }
0x30: {  	[sflag:s20] =	ssyncadd.s32 $0xFFFFF000  }
0x31: {  	[spmem:s12] =	stream.linear.scatter [tilespmem:s29], [sflag:$0x3], $0x1000, $0x38;
	[tilespmem:$0x1FA40] =	vst v63  }
0x32: {  	_ =	swait.ge [sflag:s20], $0x1000  }
0x33: {  	[sflag:s20] =	ssyncset.done $0x0  }
0x34: {  	[sflag:s20] =	ssyncadd.s32 $0xFFFFF000  }
0x35: {  	[spmem:s13] =	stream.linear.scatter [tilespmem:s29], [sflag:$0x3], $0x1000, $0x38;
	[tilespmem:$0x1FA40] =	vst v63  }
0x36: {  	_ =	swait.ge [sflag:s20], $0x1000  }
0x37: {  	[sflag:s20] =	ssyncset.done $0x0  }
0x38: {  	[sflag:s20] =	ssyncadd.s32 $0xFFFFF000  }
0x39: {  	[spmem:s14] =	stream.linear.scatter [tilespmem:s29], [sflag:$0x3], $0x1000, $0x38;
	[tilespmem:$0x1FA40] =	vst v63  }
0x3a: {  	_ =	swait.ge [sflag:s20], $0x1000  }
0x3b: {  	[sflag:s20] =	ssyncset.done $0x0  }
0x3c: {  	[sflag:s20] =	ssyncadd.s32 $0xFFFFF000  }
0x3d: {  	[spmem:s15] =	stream.linear.scatter [tilespmem:s29], [sflag:$0x3], $0x1000, $0x38;
	[tilespmem:$0x1FA40] =	vst v63  }
0x3e: {  	_ =	swait.ge [sflag:s20], $0x1000  }
0x3f: {  	[sflag:s20] =	ssyncset.done $0x0  }
0x40: {  	[sflag:s20] =	ssyncadd.s32 $0xFFFFF000  }
0x41: {  	[spmem:s16] =	stream.linear.scatter [tilespmem:s29], [sflag:$0x3], $0x1000, $0x38;
	[tilespmem:$0x1FA40] =	vst v63  }
0x42: {  	_ =	swait.ge [sflag:s20], $0x1000  }
0x43: {  	[sflag:s20] =	ssyncset.done $0x0  }
0x44: {  	[sflag:s20] =	ssyncadd.s32 $0xFFFFF000  }
0x45: {  	[spmem:s17] =	stream.linear.scatter [tilespmem:s29], [sflag:$0x3], $0x1000, $0x38;
	[tilespmem:$0x1FA40] =	vst v63  }
0x46: {  	_ =	swait.ge [sflag:s20], $0x1000  }
0x47: {  	[sflag:s20] =	ssyncset.done $0x0  }
0x48: {  	[sflag:s20] =	ssyncadd.s32 $0xFFFFF000  }
0x49: {  	[spmem:s18] =	stream.linear.scatter [tilespmem:s29], [sflag:$0x3], $0x1000, $0x38;
	[tilespmem:$0x1FA40] =	vst v63  }
0x4a: {  	_ =	swait.ge [sflag:s20], $0x1000  }
0x4b: {  	[sflag:s20] =	ssyncset.done $0x0  }
0x4c: {  	[sflag:s20] =	ssyncadd.s32 $0xFFFFF000  }
0x4d: {  	[spmem:s19] =	stream.linear.scatter [tilespmem:s29], [sflag:$0x3], $0x1000, $0x38;
	[tilespmem:$0x1FA40] =	vst v63  }
0x4e: {  	_ =	swait.ge [sflag:s20], $0x1000  }
0x4f: {  	[sflag:s20] =	ssyncset.done $0x0  }
0x50: {  	[sflag:s20] =	ssyncadd.s32 $0xFFFFF000  }
0x51: {  	[spmem:s9] =	stream.linear.scatter [tilespmem:s29], [sflag:$0x3], $0xE00, $0x38;
	[tilespmem:$0x1FA40] =	vst v63  }
0x52: {  	_ =	swait.ge [sflag:s20], $0xE00  }
0x53: {  	[sflag:s20] =	ssyncset.done $0x0  }
0x54: {  	[sflag:s20] =	ssyncadd.s32 $0xFFFFF200  }
0x55: {  	s26 =	simm.s32 $0x0;
	[bflag:$0x0] =	sbarrier.arrive $0xFFFF  }
0x56: {  	[tilespmem:s29], [sflag:$0x1] =	stream.indirect.gather [spmem:s2], $0x40, s26, s30, $0xb8;
	[tilespmem:$0x1FA40] =	vst v63  }
0x57: {  	s4 =	simm.s32 $0x40  }
0x58: {  	[tilespmem:s31], [sflag:$0x2] =	stream.indirect.gather [spmem:s2], $0x40, s4, s30, $0xb8;
	[tilespmem:$0x1FA40] =	vst v63  }
0x59: {  	_ =	swait.ge [sflag:s24], $0x1000  }
0x5a: {  	[sflag:s24] =	ssyncset.done $0x0  }
0x5b: {  	s5 =	simm.s32 $0x5000;
	[sflag:s24] =	ssyncadd.s32 $0xFFFFF000  }
0x5c: {  	[spmem:s3] =	stream.indirect.scatter.add.f32 [tilespmem:s29], [sflag:$0x3], $0x40, s5, s30, $0xb8;
	[tilespmem:$0x1FA40] =	vst v63  }
0x5d: {  	_ =	swait.ge [sflag:s20], $0x1000  }
0x5e: {  	[sflag:s20] =	ssyncset.done $0x0  }
0x5f: {  	s21 =	simm.s32 $0x80;
	[sflag:s20] =	ssyncadd.s32 $0xFFFFF000  }
0x60: {  	[tilespmem:s29], [sflag:$0x1] =	stream.indirect.gather [spmem:s2], $0x40, s21, s30, $0xb8;
	[tilespmem:$0x1FA40] =	vst v63  }
0x61: {  	_ =	swait.ge [sflag:s1], $0x1000  }
0x62: {  	[sflag:s1] =	ssyncset.done $0x0  }
0x63: {  	s26 =	simm.s32 $0x5040;
	[sflag:s1] =	ssyncadd.s32 $0xFFFFF000  }
0x64: {  	[spmem:s3] =	stream.indirect.scatter.add.f32 [tilespmem:s31], [sflag:$0x3], $0x40, s26, s30, $0xb8;
	[tilespmem:$0x1FA40] =	vst v63  }
0x65: {  	_ =	swait.ge [sflag:s20], $0x1000  }
0x66: {  	s0 =	simm.s32 $0x80;
	s21 =	simm.s32 $0x400;
	[sflag:s20] =	ssyncset.done $0x0  }
.LBB2_4:
0x67: {  	s26 =	sadd.s32 $0x40, s0  }
0x68: {  	[sflag:s20] =	ssyncadd.s32 $0xFFFFF000;
	s4 =	smov.u32 s21;
	s5 =	sadd.s32 $0x200, s21  }
0x69: {  	[tilespmem:s31], [sflag:$0x2] =	stream.indirect.gather [spmem:s2], $0x40, s26, s30, $0xb8;
	[tilespmem:$0x1FA40] =	vst v63  }
0x6a: {  	p0 =	sne.s32 s21, $0x13C00;
	_ =	swait.ge [sflag:s24], $0x1000  }
0x6b: {  	[sflag:s24] =	ssyncset.done $0x0  }
0x6c: {  	s21 =	sadd.s32 $0x5000, s0;
	[sflag:s24] =	ssyncadd.s32 $0xFFFFF000  }
0x6d: {  	[spmem:s3] =	stream.indirect.scatter.add.f32 [tilespmem:s29], [sflag:$0x3], $0x40, s21, s30, $0xb8;
	[tilespmem:$0x1FA40] =	vst v63  }
0x6e: {  	_ =	swait.ge [sflag:s20], $0x1000  }
0x6f: {  	[sflag:s20] =	ssyncset.done $0x0  }
0x70: {  	s21 =	sadd.s32 $0x80, s0;
	[sflag:s20] =	ssyncadd.s32 $0xFFFFF000  }
0x71: {  	[tilespmem:s29], [sflag:$0x1] =	stream.indirect.gather [spmem:s2], $0x40, s21, s30, $0xb8;
	[tilespmem:$0x1FA40] =	vst v63  }
0x72: {  	_ =	swait.ge [sflag:s1], $0x1000  }
.Ltmp1:
0x73: {  	[sflag:s1] =	ssyncset.done $0x0;
	(pc) =	sbr.rel @p0 .LBB2_4-.Ltmp1, $4  }
0x74: {  	s0 =	sadd.s32 $0x5040, s0;
	[sflag:s1] =	ssyncadd.s32 $0xFFFFF000  }
0x75: {  	[spmem:s3] =	stream.indirect.scatter.add.f32 [tilespmem:s31], [sflag:$0x3], $0x40, s0, s30, $0xb8;
	[tilespmem:$0x1FA40] =	vst v63  }
0x76: {  	_ =	swait.ge [sflag:s20], $0x1000  }
0x77: {  	s21 =	smov.u32 s5;
	s0 =	sshra.s32 s4, $0x2;
	[sflag:s20] =	ssyncset.done $0x0  }
0x78: {  	s4 =	sadd.s32 $0x40, s0;
	[sflag:s20] =	ssyncadd.s32 $0xFFFFF000  }
0x79: {  	[tilespmem:s31], [sflag:$0x2] =	stream.indirect.gather [spmem:s2], $0x40, s4, s30, $0xb8;
	[tilespmem:$0x1FA40] =	vst v63  }
0x7a: {  	_ =	swait.ge [sflag:s24], $0x1000  }
0x7b: {  	[sflag:s24] =	ssyncset.done $0x0  }
0x7c: {  	s21 =	sadd.s32 $0x5000, s0;
	[sflag:s24] =	ssyncadd.s32 $0xFFFFF000  }
0x7d: {  	[spmem:s3] =	stream.indirect.scatter.add.f32 [tilespmem:s29], [sflag:$0x3], $0x40, s21, s30, $0xb8;
	[tilespmem:$0x1FA40] =	vst v63  }
0x7e: {  	_ =	swait.ge [sflag:s20], $0x1000  }
0x7f: {  	[sflag:s20] =	ssyncset.done $0x0  }
0x80: {  	s26 =	sadd.s32 $0x80, s0;
	[sflag:s20] =	ssyncadd.s32 $0xFFFFF000  }
0x81: {  	[tilespmem:s29], [sflag:$0x1] =	stream.indirect.gather [spmem:s2], $0x40, s26, s30, $0xb8;
	[tilespmem:$0x1FA40] =	vst v63  }
0x82: {  	_ =	swait.ge [sflag:s1], $0x1000  }
0x83: {  	[sflag:s1] =	ssyncset.done $0x0  }
0x84: {  	s4 =	sadd.s32 $0x5040, s0;
	[sflag:s1] =	ssyncadd.s32 $0xFFFFF000  }
0x85: {  	[spmem:s3] =	stream.indirect.scatter.add.f32 [tilespmem:s31], [sflag:$0x3], $0x40, s4, s30, $0xb8;
	[tilespmem:$0x1FA40] =	vst v63  }
0x86: {  	_ =	swait.ge [sflag:s20], $0x1000  }
0x87: {  	[sflag:s20] =	ssyncset.done $0x0  }
0x88: {  	s5 =	simm.s32 $0x4FC0;
	[sflag:s20] =	ssyncadd.s32 $0xFFFFF000  }
0x89: {  	[tilespmem:s31], [sflag:$0x2] =	stream.indirect.gather [spmem:s2], $0x40, s5, s30, $0xb8;
	[tilespmem:$0x1FA40] =	vst v63  }
0x8a: {  	_ =	swait.ge [sflag:s24], $0x1000  }
0x8b: {  	[sflag:s24] =	ssyncset.done $0x0  }
0x8c: {  	s21 =	simm.s32 $0x9F80;
	[sflag:s24] =	ssyncadd.s32 $0xFFFFF000  }
0x8d: {  	[spmem:s3] =	stream.indirect.scatter.add.f32 [tilespmem:s29], [sflag:$0x3], $0x40, s21, s30, $0xb8;
	[tilespmem:$0x1FA40] =	vst v63  }
0x8e: {  	_ =	swait.ge [sflag:s20], $0x1000  }
0x8f: {  	[sflag:s20] =	ssyncset.done $0x0  }
0x90: {  	[sflag:s20] =	ssyncadd.s32 $0xFFFFF000  }
0x91: {  	_ =	swait.ge [sflag:s1], $0x1000  }
0x92: {  	[sflag:s1] =	ssyncset.done $0x0  }
0x93: {  	s26 =	simm.s32 $0x9FC0;
	[sflag:s1] =	ssyncadd.s32 $0xFFFFF000  }
0x94: {  	[spmem:s3] =	stream.indirect.scatter.add.f32 [tilespmem:s31], [sflag:$0x3], $0x40, s26, s30, $0xb8;
	[tilespmem:$0x1FA40] =	vst v63  }
0x95: {  	_ =	swait.ge [sflag:s20], $0x1000  }
0x96: {  	s28 =	sadd.s32 $0x1, s28;
	[sflag:s20] =	ssyncset.done $0x0  }
0x97: {  	p0 =	sne.s32 s28, s11;
	[sflag:s20] =	ssyncadd.s32 $0xFFFFF000  }
.Ltmp2:
0x98: {  	[bflag:$0x0] =	sbarrier.arrive $0xFFFF;
	(pc) =	sbr.rel @p0 .LBB2_1-.Ltmp2, $4  }
0x99: {  	[hbm:s10], [sflag:s22] =	dma.local [spmem:s25], $0x13C0  }
0x9a: {  	_ =	swait.ge [sflag:s20], $0x13C0  }
0x9b: {  	[sflag:s20] =	ssyncset.done $0x0  }
0x9c: {  	[sflag:s20] =	ssyncadd.s32 $0xFFFFEC40  }
0x9d: {  	_ =	sfence.sel $0x180000  }
0x9e: {  	[bflag:$0x0] =	sbarrier.arrive $0xFFFF  }
0x9f: {  	_ =	strace $0x90000047  }
0xa0: {  	s0 =	stileid.u32;
	[bflag:$0x2] =	sbarrier.arrive $0xFFFF  }
0xa1: {  	p0 =	sne.s32 s0, $0x0;
	s0 =	rddreg [dreg:$0x5]  }
0xa2: {  	s0 =	sadd.s32 @!p0 $0x100000, s0  }
0xa3: {  	[sflag:s0] =	ssyncadd.tile.s32 @!p0 $0x1;
	_ =	shalt  }
.Lfunc_end2:
_tile_overlayer_lowered:
.L_overlay_start_2:
0xa4: {  	(tag) =	ssettag $0x2  }
0xa5: {  	s0 =	rddreg [dreg:$0x0];
	s2 =	stileid.u32  }
0xa6: {  	s1 =	rddreg [dreg:$0x1];
	p0 =	sne.s32 s2, $0x0  }
0xa7: {  	s3 =	rddreg [dreg:$0x2];
	[bflag:$0x3] =	sbarrier.arrive $0xFFFF;
	s2 =	simm.s32 @!p0 $0x1C03  }
0xa8: {  	[timem:s3], [sflag:s2] =	dma.local @!p0 [hbm:s0], s1  }
0xa9: {  	s0 =	simm.s32 @!p0 $0x3  }
0xaa: {  	_ =	swait.ge @!p0 [sflag:s0], s1  }
0xab: {  	s1 =	ssub.s32 @!p0 $0x0, s1;
	[sflag:s0] =	ssyncset.done @!p0 $0x0  }
0xac: {  	[sflag:s0] =	ssyncadd.s32 @!p0 s1  }
0xad: {  	[bflag:$0x3] =	sbarrier.arrive $0xFFFF  }
0xae: {  	_ =	shalt  }

// kernel: kernel.8.cloned.1.call-start
scs
__scs_entry_jumppad:
0x0: {  	(pc) =	sbr.rel $0x88, $3  }
0x1: {  	(tag) =	ssettag $0x0;
	lr =	simm.s32 $0x1  }
0x2: {  	[smem:$0x3F9C] =	sst lr;
	_ =	strace $0xD0000000  }
0x3: {  	_ = 	snop  }
0x4: {  	_ = 	snop  }
0x5: {  	_ = 	snop  }
0x6: {  	_ = 	snop  }
0x7: {  	_ = 	snop  }
__scs_overlays_trampoline_lowered:
0x8: {  	[smem:$0x3FAB] =	sst s0  }
0x9: {  	[smem:$0x3FAC] =	sst s1  }
0xa: {  	[smem:$0x3FAD] =	sst s2  }
0xb: {  	[smem:$0x3FAE] =	sst s3  }
0xc: {  	[smem:$0x3FAF] =	sst s4  }
0xd: {  	[smem:$0x3FB0] =	sst s5  }
0xe: {  	[smem:$0x3FB1] =	sst s6  }
0xf: {  	[smem:$0x3FB2] =	sst s7  }
0x10: {  	[smem:$0x3FB3] =	sst s8  }
0x11: {  	[smem:$0x3FB4] =	sst s9;
	s0 =	simm.s32 @!p0 $0x0  }
0x12: {  	s1 =	sld [smem:$0x3F9A];
	s0 =	simm.s32 @p0 $0x1  }
0x13: {  	[smem:$0x3FB5] =	sst s0;
	s0 =	simm.s32 @!p1 $0x0  }
0x14: {  	s2 =	sld [smem:$0x3F99];
	s0 =	simm.s32 @p1 $0x1  }
0x15: {  	[smem:$0x3FB6] =	sst s0;
	s0 =	simm.s32 @!p2 $0x0  }
0x16: {  	s3 =	sld [smem:$0x3FDB];
	s0 =	simm.s32 @p2 $0x1  }
0x17: {  	s4 =	simm.s32 $0x1BF5;
	[smem:$0x3FB8] =	sst s0  }
0x18: {  	s0 =	sld [smem:$0x3F9B];
	_ =	swait.ge [sflag:s4], $0x0  }
0x19: {  	s7 =	sld [smem:$0x3F9C]  }
0x1a: {  	s8 =	sadd.s32 $0xFFFFE003, lr  }
0x1b: {  	s9 =	sadd.s32 $0xFFFFFEF7, lr;
	s5 =	simm.s32 $0xFFFFFFFF;
	p2 =	slt.u32 s8, $0xFFFFF086  }
0x1c: {  	p1 =	slt.u32 s9, $0xF7A;
	s5 =	simm.s32 @!p2 $0x0  }
0x1d: {  	s5 =	simm.s32 @p1 $0x1;
	p0 =	seq.s32 s7, s2  }
0x1e: {  	s7 =	smul.u32 @!p0 $0xF7A, s2;
	p2 =	seq.s32 @!p0 s5, $0x0  }
0x1f: {  	s9 =	smul.u32 $0xF7A, s1;
	s8 =	simm.s32 @!p0 $0x1BF5;
	p2 =	por !p2, p0  }
0x20: {  	[sflag:s8] =	ssyncset.s32 @!p0 $0xFFFFF086;
	s6 =	sadd.s32 @!p0 s3, s7;
	s7 =	simm.s32 @!p0 $0x108  }
0x21: {  	s3 =	sadd.s32 s3, s9;
	s6 =	sadd.s32 @!p0 $0x88, s6;
	s7 =	simm.s32 @p2 $0x1082  }
0x22: {  	[simem:s7], [sflag:s8] =	dma.local @!p0 [hbm:s6], $0xF7A  }
0x23: {  	s9 =	sor.u32 $0xD0000000, s2;
	s6 =	simm.s32 $0x108;
	_ =	swait.ge @!p0 [sflag:s8], $0x0  }
0x24: {  	s3 =	sadd.s32 $0x88, s3;
	s6 =	simm.s32 @!p1 $0x1082;
	[sflag:s4] =	ssyncset.s32 $0xFFFFF086  }
0x25: {  	[simem:s6], [sflag:s4] =	dma.local [hbm:s3], $0xF7A  }
0x26: {  	[smem:$0x3F9C] =	sst s1;
	(tag) =	ssettag s2;
	_ =	strace s9  }
0x27: {  	s1 =	sld [smem:$0x3FAC]  }
0x28: {  	s2 =	sld [smem:$0x3FAD]  }
0x29: {  	s4 =	sld [smem:$0x3FAF]  }
0x2a: {  	p0 =	seq.s32 s5, $0x0;
	s5 =	sld [smem:$0x3FB0]  }
0x2b: {  	s6 =	sld [smem:$0x3FB1]  }
0x2c: {  	s7 =	sld [smem:$0x3FB2]  }
0x2d: {  	s3 =	simm.s32 $0x108;
	s8 =	sld [smem:$0x3FB3]  }
0x2e: {  	s3 =	simm.s32 @!p0 $0x1082;
	s9 =	sld [smem:$0x3FB4]  }
0x2f: {  	lr =	sadd.s32 s0, s3;
	s0 =	sld [smem:$0x3FAB]  }
0x30: {  	s3 =	sld [smem:$0x3FAE]  }
0x31: {  	[smem:$0x3FB7] =	sst s10  }
0x32: {  	s10 =	sld [smem:$0x3FB5];
	_ =	sdelay $0x3  }
0x33: {  	p0 =	seq.s32 s10, $0x1;
	s10 =	sld [smem:$0x3FB7];
	_ =	sdelay $0x3  }
0x34: {  	[smem:$0x3FB7] =	sst s10  }
0x35: {  	s10 =	sld [smem:$0x3FB6];
	_ =	sdelay $0x3  }
0x36: {  	p1 =	seq.s32 s10, $0x1;
	s10 =	sld [smem:$0x3FB7];
	_ =	sdelay $0x3  }
0x37: {  	[smem:$0x3FB7] =	sst s10  }
0x38: {  	s10 =	sld [smem:$0x3FB8]  }
0x39: {  	_ = 	snop;
	(pc) =	sbr.ind lr, $3  }
0x3a: {  	_ = 	snop  }
0x3b: {  	_ = 	snop  }
0x3c: {  	p2 =	seq.s32 s10, $0x1;
	s10 =	sld [smem:$0x3FB7]  }
0x3d: {  	_ =	shalt  }
0x3e: {  	_ =	shalt  }
0x3f: {  	_ =	shalt  }
0x40: {  	_ =	shalt  }
0x41: {  	_ =	shalt  }
0x42: {  	_ =	shalt  }
0x43: {  	_ =	shalt  }
0x44: {  	_ =	shalt  }
0x45: {  	_ =	shalt  }
0x46: {  	_ =	shalt  }
0x47: {  	_ =	shalt  }
0x48: {  	_ =	shalt  }
0x49: {  	_ =	shalt  }
0x4a: {  	_ =	shalt  }
0x4b: {  	_ =	shalt  }
0x4c: {  	_ =	shalt  }
0x4d: {  	_ =	shalt  }
0x4e: {  	_ =	shalt  }
0x4f: {  	_ =	shalt  }
0x50: {  	_ =	shalt  }
0x51: {  	_ =	shalt  }
0x52: {  	_ =	shalt  }
0x53: {  	_ =	shalt  }
0x54: {  	_ =	shalt  }
0x55: {  	_ =	shalt  }
0x56: {  	_ =	shalt  }
0x57: {  	_ =	shalt  }
0x58: {  	_ =	shalt  }
0x59: {  	_ =	shalt  }
0x5a: {  	_ =	shalt  }
0x5b: {  	_ =	shalt  }
0x5c: {  	_ =	shalt  }
0x5d: {  	_ =	shalt  }
0x5e: {  	_ =	shalt  }
0x5f: {  	_ =	shalt  }
0x60: {  	_ =	shalt  }
0x61: {  	_ =	shalt  }
0x62: {  	_ =	shalt  }
0x63: {  	_ =	shalt  }
0x64: {  	_ =	shalt  }
0x65: {  	_ =	shalt  }
0x66: {  	_ =	shalt  }
0x67: {  	_ =	shalt  }
0x68: {  	_ =	shalt  }
0x69: {  	_ =	shalt  }
0x6a: {  	_ =	shalt  }
0x6b: {  	_ =	shalt  }
0x6c: {  	_ =	shalt  }
0x6d: {  	_ =	shalt  }
0x6e: {  	_ =	shalt  }
0x6f: {  	_ =	shalt  }
0x70: {  	_ =	shalt  }
0x71: {  	_ =	shalt  }
0x72: {  	_ =	shalt  }
0x73: {  	_ =	shalt  }
0x74: {  	_ =	shalt  }
0x75: {  	_ =	shalt  }
0x76: {  	_ =	shalt  }
0x77: {  	_ =	shalt  }
0x78: {  	_ =	shalt  }
0x79: {  	_ =	shalt  }
0x7a: {  	_ =	shalt  }
0x7b: {  	_ =	shalt  }
0x7c: {  	_ =	shalt  }
0x7d: {  	_ =	shalt  }
0x7e: {  	_ =	shalt  }
0x7f: {  	_ =	shalt  }
0x80: {  	_ =	shalt  }
0x81: {  	_ =	shalt  }
0x82: {  	_ =	shalt  }
0x83: {  	_ =	shalt  }
0x84: {  	_ =	shalt  }
0x85: {  	_ =	shalt  }
0x86: {  	_ =	shalt  }
0x87: {  	_ =	shalt  }
.Lfunc_end0:
.L_simem_size_0:
called_computation.1_lowered:
.L_overlay_start_0:
0x88: {  	s2 =	sld [smem:$0x3FD9]  }
0x89: {  	s3 =	sld [smem:$0x3FFE];
	_ =	sdelay $0x1  }
0x8a: {  	s1 =	srdreg.scid  }
0x8b: {  	s0 =	sand.u32 $0x1, s1  }
0x8c: {  	s17 =	sshll.u32 s0, $0xA;
	s2 =	sadd.s32 s3, s2  }
0x8d: {  	s2 =	sadd.s32 s2, s17  }
0x8e: {  	[smem:$0x3FC3] =	sst s2  }
0x8f: {  	_ = 	snop  }
0x90: {  	(tm) =	ssettm $0x1  }
0x91: {  	s18 =	sld [smem:$0x3FFB];
	_ =	sdelay $0x3  }
0x92: {  	_ =	strace s18  }
0x93: {  	s2 =	sld [smem:$0x3FFC];
	_ =	sdelay $0x3  }
0x94: {  	_ =	strace s2  }
0x95: {  	s2 =	sld [smem:$0x3FFD];
	_ =	sdelay $0x3  }
0x96: {  	_ =	strace s2  }
0x97: {  	_ =	strace $0x8FFFFFFF  }
0x98: {  	s19 =	sld [smem:$0x3FDB];
	_ =	sdelay $0x1  }
0x99: {  	s20 =	simm.s32 $_scs_section_size  }
0x9a: {  	s4 =	simm.s32 $_size__tile_overlayer_lowered;
	s5 =	simm.s32 $_tile_overlayer_lowered  }
0x9b: {  	s6 =	simm.s32 $0x1BFF;
	s21 =	sshll.u32 s5, $0x1;
	s3 =	sadd.s32 s20, s19  }
0x9c: {  	s22 =	simm.s32 $0x0;
	s4 =	sshll.u32 s4, $0x1;
	s5 =	sadd.s32 s21, s3  }
0x9d: {  	[timem:s22], [sflag:s6] =	dma.local [hbm:s5], s4  }
0x9e: {  	_ =	swait.ge [sflag:s6], s4  }
0x9f: {  	s4 =	ssub.s32 $0x0, s4;
	[sflag:s6] =	ssyncset.done $0x0  }
0xa0: {  	[sflag:s6] =	ssyncadd.s32 s4;
	_ =	sdelay $0x1  }
0xa1: {  	s23 =	simm.s32 $0x1B8B  }
0xa2: {  	_ =	swait.ge [sflag:s23], $0x1  }
0xa3: {  	[sflag:s23] =	ssyncset.done $0x0  }
0xa4: {  	[sflag:s23] =	ssyncadd.s32 $0xFFFFFFFF  }
0xa5: {  	s4 =	sld [smem:$0x0]  }
0xa6: {  	s5 =	sand.u32 $0xFFFFFFFE, s1  }
0xa7: {  	p0 =	sne.s32 s1, s5  }
0xa8: {  	s5 =	sshll.u32 @p0 s5, $0xE  }
0xa9: {  	s5 =	sadd.s32 @p0 $0x11B8D, s5;
	s6 =	sshll.u32 @p0 s4, $0x11  }
0xaa: {  	s5 =	sor.u32 @p0 s6, s5  }
0xab: {  	[sflag:s5] =	ssyncadd.remote.s32 @p0 $0x1;
	_ =	sdelay $0x1  }
0xac: {  	s5 =	simm.s32 @p0 $0x1B8D  }
0xad: {  	_ =	swait.eq @p0 [sflag:s5], $0x1  }
0xae: {  	[sflag:s5] =	ssyncadd.s32 @p0 $0xFFFFFFFF  }
0xaf: {  	s6 =	sshll.u32 @!p0 s1, $0xE  }
0xb0: {  	s6 =	sor.u32 @!p0 $0x4000, s6;
	s5 =	simm.s32 @!p0 $0x1B8D  }
0xb1: {  	s4 =	sshll.u32 @!p0 s4, $0x11;
	s6 =	sadd.s32 @!p0 $0x11B8D, s6;
	_ =	swait.eq @!p0 [sflag:s5], $0x1  }
0xb2: {  	s4 =	sor.u32 @!p0 s4, s6;
	[sflag:s5] =	ssyncadd.s32 @!p0 $0xFFFFFFFF  }
0xb3: {  	s25 =	simm.s32 $0x1B8E;
	s24 =	sld [smem:$0x3FFE];
	[sflag:s4] =	ssyncadd.remote.s32 @!p0 $0x1  }
0xb4: {  	s26 =	simm.s32 $execute0_lowered;
	[smem:$0x3FD2] =	sst s25  }
0xb5: {  	s5 =	sshll.u32 s26, $0x1;
	_ =	strace $0x80000049;
	[dreg:$0x1] =	wrdreg $0xFFFFFFFF  }
0xb6: {  	s28 =	simm.s32 $_size_execute0_lowered;
	s3 =	sadd.s32 s3, s5;
	[dreg:$0x0] =	wrdreg $0x0  }
0xb7: {  	s5 =	sshll.u32 s28, $0x1;
	[dreg:$0x2] =	wrdreg s3  }
0xb8: {  	[dreg:$0x3] =	wrdreg s5  }
0xb9: {  	[dreg:$0x4] =	wrdreg $0xC0  }
0xba: {  	_ =	task [dreg:s22], $0x5FFFF  }
0xbb: {  	[dreg:$0x1] =	wrdreg $0xFFFFFFFF  }
0xbc: {  	[dreg:$0x0] =	wrdreg $0x60  }
0xbd: {  	[dreg:$0x2] =	wrdreg s24  }
0xbe: {  	[dreg:$0x3] =	wrdreg $0x2A000  }
0xbf: {  	[dreg:$0x4] =	wrdreg $0xA  }
0xc0: {  	_ =	task.clear_ibuf [dreg:s22], $0x5FFFF;
	_ =	strace $0x90000049  }
0xc1: {  	s29 =	simm.s32 $0xA;
	_ =	strace $0x8000004B  }
0xc2: {  	_ =	swait.ge [sflag:s29], $0x1  }
0xc3: {  	[sflag:s29] =	ssyncadd.s32 $0xFFFFFFFF  }
0xc4: {  	_ =	strace $0x9000004B  }
0xc5: {  	_ =	sfence  }
0xc6: {  	s30 =	sld [smem:$0x0];
	_ =	sdelay $0x2  }
0xc7: {  	s31 =	sshll.u32 s1, $0xD;
	s1 =	sshrl.u32 s1, $0x2  }
0xc8: {  	s4 =	sand.u32 $0x4000, s31;
	s1 =	sadd.s32 s1, s30  }
0xc9: {  	s0 =	sor.u32 s4, s0;
	s1 =	sshll.u32 s1, $0x11  }
0xca: {  	s0 =	sor.u32 s1, s0  }
0xcb: {  	s0 =	sadd.s32 $0x8F2B, s0  }
0xcc: {  	[sflag:s0] =	ssyncadd.remote.s32 $0x1  }
0xcd: {  	_ =	sfence.sel $0xFFFF  }
0xce: {  	[dreg:$0x0] =	wrdreg $0xFFFFFFFF;
	(pc) =	sbr.abs _section_cstart, $3  }
0xcf: {  	[dreg:$0x1] =	wrdreg $0xFFFFFFFF  }
0xd0: {  	_ =	task.clear_ibuf [dreg:s22], $0x2FFFF;
	_ =	strace $0x9FFFFFFF  }
0xd1: {  	(tm) =	ssettm $0x7FFFFFFF  }
tec
execute0_lowered:
.L_overlay_start_1:
0x0: {  	(tag) =	ssettag $0x1  }
0x1: {  	s6 =	rddreg [dreg:$0x0]  }
0x2: {  	s0 =	srdreg.scid;
	s2 =	rddreg [dreg:$0x1];
	s3 =	simm.s32 $0x0  }
0x3: {  	s13 =	simm.s32 $0x40;
	s5 =	sand.u32 $0x1, s0;
	s0 =	stileid.u32  }
0x4: {  	s14 =	simm.s32 $0x0;
	[smem:$0x7FF] =	sst s3;
	s7 =	smul.u32 $0x13C0, s0  }
0x5: {  	s1 =	sshll.u32 s5, $0x4;
	s8 =	smul.u32 $0x13C00, s5;
	s10 =	ssub.s32 $0x2, s5  }
0x6: {  	s5 =	sadd.s32 $0x32A00, s6;
	s11 =	sshll.u32 s0, $0x6;
	s1 =	sor.u32 s0, s1  }
0x7: {  	s31 =	sshrl.u32 s10, $0x1;
	s11 =	sor.u32 $0x1C01, s11;
	s4 =	smul.u32 $0x500, s1  }
0x8: {  	s1 =	rddreg [dreg:$0x2];
	_ =	strace $0x8000004A;
	s8 =	sadd.s32 s7, s8  }
0x9: {  	s10 =	ssub.s32 s10, s31;
	s12 =	sadd.s32 s7, s2;
	s8 =	sshrl.u32 s8, $0x3  }
0xa: {  	s12 =	sshrl.u32 s12, $0x3;
	s9 =	sadd.s32 s4, s6;
	s8 =	sadd.s32 s8, s6  }
0xb: {  	s4 =	sadd.s32 $0x32E00, s6;
	s6 =	sadd.s32 $0x1200, s9;
	s7 =	sadd.s32 $0x33000, s8  }
0xc: {  	s8 =	smax.u32 s10, $0x1;
	s9 =	simm.s32 $0x1;
	s10 =	simm.s32 $0x2800  }
.LBB2_1:
0xd: {  	[tilespmem:s3], [sflag:$0x1] =	stream.linear.gather [hbm4b:s6+s3], $0x2800, $0x38;
	[tilespmem:$0x3DC0] =	vst v63  }
0xe: {  	_ =	swait.ge [sflag:s9], $0x2800  }
0xf: {  	[sflag:s9] =	ssyncset.done $0x0  }
0x10: {  	[sflag:s9] =	ssyncadd.s32 $0xFFFFD800  }
0x11: {  	[tilespmem:s10], [sflag:$0x1] =	stream.linear.gather [hbm4b:s4+s3], $0x200, $0x38;
	[tilespmem:$0x3DC0] =	vst v63  }
0x12: {  	_ =	swait.ge [sflag:s9], $0x200  }
0x13: {  	[sflag:s9] =	ssyncset.done $0x0  }
0x14: {  	[sflag:s9] =	ssyncadd.s32 $0xFFFFFE00  }
0x15: {  	[spmem:s12], [sflag:s11] =	dma.local [hbm:s5], $0x278  }
0x16: {  	_ =	swait.ge [sflag:s9], $0x278  }
0x17: {  	[sflag:s9] =	ssyncset.done $0x0  }
0x18: {  	[sflag:s9] =	ssyncadd.s32 $0xFFFFFD88  }
0x19: {  	s15 =	simm.s32 $0x0;
	[bflag:$0x0] =	sbarrier.arrive $0xFFFF  }
0x1a: {  	[spmem:s2] =	stream.indirect.scatter.add.f32 [tilespmem:s10], [sflag:$0x1], $0x8, s15, s13, $0xb8;
	[tilespmem:$0x3DC0] =	vst v63  }
0x1b: {  	_ =	swait.ge [sflag:s9], $0x200  }
0x1c: {  	s15 =	simm.s32 $0x100;
	[sflag:s9] =	ssyncset.done $0x0  }
.LBB2_2:
0x1d: {  	s16 =	sshra.s32 s15, $0x2;
	[sflag:s9] =	ssyncadd.s32 $0xFFFFFE00;
	p0 =	sne.s32 s15, $0x9F00  }
0x1e: {  	[spmem:s2] =	stream.indirect.scatter.add.f32 [tilespmem:s10], [sflag:$0x1], $0x8, s16, s13, $0xb8;
	[tilespmem:$0x3DC0] =	vst v63  }
.Ltmp0:
0x1f: {  	_ = 	snop;
	(pc) =	sbr.rel @p0 .LBB2_2-.Ltmp0, $4  }
0x20: {  	_ = 	snop  }
0x21: {  	s15 =	sadd.s32 $0x100, s15  }
0x22: {  	_ =	swait.ge [sflag:s9], $0x200  }
0x23: {  	[sflag:s9] =	ssyncset.done $0x0  }
0x24: {  	s14 =	sadd.s32 $0x1, s14  }
0x25: {  	[sflag:s9] =	ssyncadd.s32 $0xFFFFFE00;
	p0 =	sne.s32 s14, s8  }
.Ltmp1:
0x26: {  	[bflag:$0x0] =	sbarrier.arrive $0xFFFF;
	(pc) =	sbr.rel @p0 .LBB2_1-.Ltmp1, $4  }
0x27: {  	[hbm:s7], [sflag:s11] =	dma.local [spmem:s12], $0x278  }
0x28: {  	_ =	swait.ge [sflag:s9], $0x278  }
0x29: {  	[sflag:s9] =	ssyncset.done $0x0  }
0x2a: {  	[sflag:s9] =	ssyncadd.s32 $0xFFFFFD88  }
0x2b: {  	_ =	sfence.sel $0x180000  }
0x2c: {  	[bflag:$0x0] =	sbarrier.arrive $0xFFFF  }
0x2d: {  	p0 =	sne.s32 s0, $0x0;
	_ =	strace $0x9000004A  }
0x2e: {  	s0 =	sadd.s32 @!p0 $0x100000, s1;
	[bflag:$0x2] =	sbarrier.arrive $0xFFFF  }
0x2f: {  	[sflag:s0] =	ssyncadd.tile.s32 @!p0 $0x1;
	_ =	shalt  }
.Lfunc_end2:
_tile_overlayer_lowered:
.L_overlay_start_2:
0x30: {  	(tag) =	ssettag $0x2  }
0x31: {  	s0 =	rddreg [dreg:$0x0];
	s2 =	stileid.u32  }
0x32: {  	s1 =	rddreg [dreg:$0x1];
	p0 =	sne.s32 s2, $0x0  }
0x33: {  	s3 =	rddreg [dreg:$0x2];
	[bflag:$0x3] =	sbarrier.arrive $0xFFFF;
	s2 =	simm.s32 @!p0 $0x1C01  }
0x34: {  	[timem:s3], [sflag:s2] =	dma.local @!p0 [hbm:s0], s1  }
0x35: {  	s0 =	simm.s32 @!p0 $0x1  }
0x36: {  	_ =	swait.ge @!p0 [sflag:s0], s1  }
0x37: {  	s1 =	ssub.s32 @!p0 $0x0, s1;
	[sflag:s0] =	ssyncset.done @!p0 $0x0  }
0x38: {  	[sflag:s0] =	ssyncadd.s32 @!p0 s1  }
0x39: {  	[bflag:$0x3] =	sbarrier.arrive $0xFFFF  }
0x3a: {  	_ =	shalt  }

</sc_bundles>
